<compile_context>
chip_gen: v7x
topology: tpu7x:2x2x1
jax: 0.10.2.dev20260603
libtpu: 0.0.44.dev20260713+nightly
codegen_flags: <defaults>
</compile_context>

<pallas_src>
import functools

import jax
import jax.numpy as jnp
from jax.experimental import pallas as pl

N = 100000
D = 128
B = 1024
K = 32
TOPK = 16
ALPHA = 0.5


def _score_topk_body(num_ref, q_ref, lu_ref, imp_ref, nr2_ref, lv_ref, nbr_ref,
                     tp_ref, sel_ref):
    num = num_ref[...]
    q = q_ref[...]
    lu = lu_ref[...]
    imp = imp_ref[...]
    nr2 = nr2_ref[...]
    lv = lv_ref[...]
    nbr = nbr_ref[...]

    ego = num / jnp.maximum(jnp.sqrt(nr2 * q), 1e-6)
    layer = jax.nn.sigmoid(lv + lu)
    p = (ALPHA * ego + (1.0 - ALPHA) * layer) * imp
    pn = p[:, :1]
    p = p / jnp.where(pn == 0.0, 1.0, pn) + 1.0
    p = jnp.where(jnp.isnan(p), 0.0, p)
    p = jnp.where(p == jnp.inf, 1.0, p)
    p = jnp.where(p == -jnp.inf, 1.0, p)
    p = jnp.clip(p, 1e-5, 1.0)

    col = jax.lax.broadcasted_iota(jnp.int32, (1, K), 1)
    rank = jnp.zeros(p.shape, jnp.int32)
    for i in range(K):
        vi = p[:, i:i + 1]
        rank += ((vi > p) | ((vi == p) & (i < col))).astype(jnp.int32)

    slot = jax.lax.broadcasted_iota(jnp.int32, (1, TOPK), 1)
    tp = jnp.zeros((p.shape[0], TOPK), jnp.float32)
    sel = jnp.zeros((p.shape[0], TOPK), jnp.int32)
    for j in range(K):
        m = rank[:, j:j + 1] == slot
        tp = jnp.where(m, p[:, j:j + 1], tp)
        sel = jnp.where(m, nbr[:, j:j + 1], sel)
    tp_ref[...] = tp
    sel_ref[...] = sel


def _score_topk(num, q, lu, imp, nr2, lv, neighbors):
    BB = 256
    grid = (B // BB,)
    row_spec = pl.BlockSpec((BB, K), lambda i: (i, 0))
    one_spec = pl.BlockSpec((BB, 1), lambda i: (i, 0))
    return pl.pallas_call(
        _score_topk_body,
        grid=grid,
        in_specs=[row_spec, row_spec, row_spec, row_spec, one_spec, one_spec,
                  row_spec],
        out_specs=[pl.BlockSpec((BB, TOPK), lambda i: (i, 0)),
                   pl.BlockSpec((BB, TOPK), lambda i: (i, 0))],
        out_shape=[jax.ShapeDtypeStruct((B, TOPK), jnp.float32),
                   jax.ShapeDtypeStruct((B, TOPK), jnp.int32)],
    )(num, q, lu, imp, nr2, lv, neighbors)


def kernel(x, batch_nodes, neighbors, n_imp, w_ego_root, w_ego_u, w_layer_v,
           w_layer_u):
    xr = jnp.take(x, batch_nodes, axis=0)
    a = xr * (w_ego_root * w_ego_u)
    nr2 = jnp.sum((xr * w_ego_root) ** 2, axis=1, keepdims=True)
    lv = xr @ w_layer_v
    xu = jnp.take(x, neighbors.reshape(-1), axis=0).reshape(B, K, D)
    num = jnp.einsum('bkd,bd->bk', xu, a)
    q = jnp.sum((xu * w_ego_u) ** 2, axis=-1)
    lu = (xu @ w_layer_u)[..., 0]
    imp = jnp.take(n_imp, neighbors.reshape(-1)).reshape(B, K)

    top_p, sel_nodes = _score_topk(num, q, lu, imp, nr2, lv, neighbors)

    p_agg = jnp.zeros((N,), jnp.float32).at[sel_nodes.reshape(-1)].add(
        top_p.reshape(-1))
    return top_p, sel_nodes, p_agg

# --- scband reference (transcript-rebuilt; emitter-appended) ---
"""Pipeline reference for scband-adaptive-sampler-30227979829999 (READ-ONLY COPY).

The authoritative reference and input builder live on the scoring server;
editing this copy changes nothing except your own understanding.
"""

import jax, jax.numpy as jnp
import numpy as np

N = 100000
D = 128
B = 1024
K = 32
TOPK = 16
ALPHA = 0.5


def setup_inputs(seed: int = 0) -> dict:
    key = jax.random.key(seed)
    ks = jax.random.split(key, 8)
    bound = 1.0 / np.sqrt(D)
    x = jax.random.normal(ks[0], (N, D), dtype=jnp.float32)
    batch_nodes = jax.random.randint(ks[1], (B,), 0, N)
    neighbors = jax.random.randint(ks[2], (B, K), 0, N)
    n_imp = jax.random.uniform(ks[3], (N,), dtype=jnp.float32)
    w_ego_root = jax.random.uniform(ks[4], (D,), dtype=jnp.float32, minval=-bound, maxval=bound)
    w_ego_u = jax.random.uniform(ks[5], (D,), dtype=jnp.float32, minval=-bound, maxval=bound)
    w_layer_v = jax.random.uniform(ks[6], (D, 1), dtype=jnp.float32, minval=-bound, maxval=bound)
    w_layer_u = jax.random.uniform(ks[7], (D, 1), dtype=jnp.float32, minval=-bound, maxval=bound)
    return {"x": x, "batch_nodes": batch_nodes, "neighbors": neighbors, "n_imp": n_imp,
            "w_ego_root": w_ego_root, "w_ego_u": w_ego_u, "w_layer_v": w_layer_v, "w_layer_u": w_layer_u}


def _scores(x, n_imp, w_ego_root, w_ego_u, w_layer_v, w_layer_u, batch_nodes, neighbors):
    # root embeddings scaled by w_ego_root (h_roots = x[batch_nodes] * w_ego_root)
    xr = jnp.take(x, batch_nodes, axis=0)                      # [B, D] gather
    h_roots = xr * w_ego_root
    # neighbor (hop-1 frontier) features, gathered by node id
    xu = jnp.take(x, neighbors.reshape(-1), axis=0).reshape(B, K, D)
    hu = xu * w_ego_u
    # ego score: cosine similarity between root and scaled neighbor features
    num = jnp.sum(h_roots[:, None, :] * hu, axis=-1)
    den = jnp.linalg.norm(h_roots, axis=-1)[:, None] * jnp.linalg.norm(hu, axis=-1)
    ego_score = num / jnp.maximum(den, 1e-06)
    # layer kernel score (w_layer_v on frontier v == roots here, w_layer_u on neighbors u)
    lv = xr @ w_layer_v                                        # [B, 1]
    lu = (xu @ w_layer_u)[..., 0]                              # [B, K]
    layer_score = jax.nn.sigmoid(lv + lu)
    # combine with heuristic node importance n_imp[u]
    imp = jnp.take(n_imp, neighbors.reshape(-1)).reshape(B, K)
    p_u = (ALPHA * ego_score + (1.0 - ALPHA) * layer_score) * imp
    # hop-1 normalization constant is detached in the original (clone().detach())
    p_norm = jax.lax.stop_gradient(p_u[:, :1])
    p_u = p_u / jnp.where(p_norm == 0, 1.0, p_norm) + 1.0
    p_u = jnp.nan_to_num(p_u, nan=0.0, posinf=1.0, neginf=1.0)
    p_clip = jnp.clip(p_u, 1e-05, 1.0)
    return p_clip


def reference(x, batch_nodes, neighbors, n_imp, w_ego_root, w_ego_u, w_layer_v, w_layer_u):
    p_clip = _scores(x, n_imp, w_ego_root, w_ego_u, w_layer_v, w_layer_u, batch_nodes, neighbors)
    # deterministic proxy for torch.multinomial(batch_p, num_sample): pick top-TOPK per root
    top_p, top_i = jax.lax.top_k(p_clip, TOPK)                 # [B, TOPK]
    sel_nodes = jnp.take_along_axis(neighbors, top_i, axis=1)  # [B, TOPK]
    # p_gather='sum': scatter-add sampled probabilities into a per-node accumulator
    p_agg = jnp.zeros((N,), jnp.float32).at[sel_nodes.reshape(-1)].add(top_p.reshape(-1))
    return top_p, sel_nodes, p_agg

if __name__ == "__main__":
    import jax
    _d = setup_inputs()
    print(jax.jit(kernel)(*tuple(_d.values())))

</pallas_src>

<mosaic_0001>
module attributes {stable_mosaic.version = 14 : i64} {
  func.func @_score_topk_body(%arg0: i32, %arg1: memref<256x32xf32, #tpu.memory_space<vmem>>, %arg2: memref<256x32xf32, #tpu.memory_space<vmem>>, %arg3: memref<256x32xf32, #tpu.memory_space<vmem>>, %arg4: memref<256x32xf32, #tpu.memory_space<vmem>>, %arg5: memref<256x1xf32, #tpu.memory_space<vmem>>, %arg6: memref<256x1xf32, #tpu.memory_space<vmem>>, %arg7: memref<256x32xi32, #tpu.memory_space<vmem>>, %arg8: memref<256x16xf32, #tpu.memory_space<vmem>>, %arg9: memref<256x16xi32, #tpu.memory_space<vmem>>) attributes {dimension_semantics = [#tpu.dimension_semantics<arbitrary>], iteration_bounds = array<i64: 4>, scalar_prefetch = 0 : i64, scratch_operands = 0 : i64, tpu.core_type = #tpu.core_type<tc>, window_params = [{transform_indices = @transform_0, window_bounds = array<i64: 256, 32>}, {transform_indices = @transform_1, window_bounds = array<i64: 256, 32>}, {transform_indices = @transform_2, window_bounds = array<i64: 256, 32>}, {transform_indices = @transform_3, window_bounds = array<i64: 256, 32>}, {transform_indices = @transform_4, window_bounds = array<i64: 256, 1>}, {transform_indices = @transform_5, window_bounds = array<i64: 256, 1>}, {transform_indices = @transform_6, window_bounds = array<i64: 256, 32>}, {transform_indices = @transform_7, window_bounds = array<i64: 256, 16>}, {transform_indices = @transform_8, window_bounds = array<i64: 256, 16>}]} {
    %get3A = arith.constant 0 : index
    %get3A_0 = arith.constant 0 : index
    %get3A_1 = vector.load %arg1[%get3A, %get3A_0] : memref<256x32xf32, #tpu.memory_space<vmem>>, vector<256x32xf32>
    %get3A_2 = arith.constant 0 : index
    %get3A_3 = arith.constant 0 : index
    %get3A_4 = vector.load %arg2[%get3A_2, %get3A_3] : memref<256x32xf32, #tpu.memory_space<vmem>>, vector<256x32xf32>
    %get3A_5 = arith.constant 0 : index
    %get3A_6 = arith.constant 0 : index
    %get3A_7 = vector.load %arg3[%get3A_5, %get3A_6] : memref<256x32xf32, #tpu.memory_space<vmem>>, vector<256x32xf32>
    %get3A_8 = arith.constant 0 : index
    %get3A_9 = arith.constant 0 : index
    %get3A_10 = vector.load %arg4[%get3A_8, %get3A_9] : memref<256x32xf32, #tpu.memory_space<vmem>>, vector<256x32xf32>
    %get3A_11 = arith.constant 0 : index
    %get3A_12 = arith.constant 0 : index
    %get3A_13 = vector.load %arg5[%get3A_11, %get3A_12] : memref<256x1xf32, #tpu.memory_space<vmem>>, vector<256x1xf32>
    %get3A_14 = arith.constant 0 : index
    %get3A_15 = arith.constant 0 : index
    %get3A_16 = vector.load %arg6[%get3A_14, %get3A_15] : memref<256x1xf32, #tpu.memory_space<vmem>>, vector<256x1xf32>
    %get3A_17 = arith.constant 0 : index
    %get3A_18 = arith.constant 0 : index
    %get3A_19 = vector.load %arg7[%get3A_17, %get3A_18] : memref<256x32xi32, #tpu.memory_space<vmem>>, vector<256x32xi32>
    %mul3A = vector.broadcast %get3A_13 : vector<256x1xf32> to vector<256x32xf32>
    %mul3A_20 = arith.mulf %mul3A, %get3A_4 : vector<256x32xf32>
    %sqrt3A = math.sqrt %mul3A_20 : vector<256x32xf32>
    %max3A = arith.constant 9.99999997E-7 : f32
    %max3A_21 = vector.broadcast %max3A : f32 to vector<256x32xf32>
    %max3A_22 = arith.maximumf %sqrt3A, %max3A_21 : vector<256x32xf32>
    %div3A = arith.divf %get3A_1, %max3A_22 : vector<256x32xf32>
    %add3A = vector.broadcast %get3A_16 : vector<256x1xf32> to vector<256x32xf32>
    %add3A_23 = arith.addf %add3A, %get3A_7 : vector<256x32xf32>
    %logistic3A = arith.negf %add3A_23 : vector<256x32xf32>
    %logistic3A_24 = math.exp %logistic3A : vector<256x32xf32>
    %logistic3A_25 = arith.constant 1.000000e+00 : f32
    %logistic3A_26 = vector.broadcast %logistic3A_25 : f32 to vector<256x32xf32>
    %logistic3A_27 = arith.addf %logistic3A_26, %logistic3A_24 : vector<256x32xf32>
    %logistic3A_28 = arith.divf %logistic3A_26, %logistic3A_27 : vector<256x32xf32>
    %mul3A_29 = arith.constant 5.000000e-01 : f32
    %mul3A_30 = vector.broadcast %mul3A_29 : f32 to vector<256x32xf32>
    %mul3A_31 = arith.mulf %mul3A_30, %div3A : vector<256x32xf32>
    %mul3A_32 = arith.constant 5.000000e-01 : f32
    %mul3A_33 = vector.broadcast %mul3A_32 : f32 to vector<256x32xf32>
    %mul3A_34 = arith.mulf %mul3A_33, %logistic3A_28 : vector<256x32xf32>
    %add3A_35 = arith.addf %mul3A_31, %mul3A_34 : vector<256x32xf32>
    %mul3A_36 = arith.mulf %add3A_35, %get3A_10 : vector<256x32xf32>
    %slice3A = vector.extract_strided_slice %mul3A_36 {offsets = [0, 0], sizes = [256, 1], strides = [1, 1]} : vector<256x32xf32> to vector<256x1xf32>
    %eq3A = arith.constant 0.000000e+00 : f32
    %eq3A_37 = vector.broadcast %eq3A : f32 to vector<256x1xf32>
    %eq3A_38 = arith.cmpf oeq, %slice3A, %eq3A_37 : vector<256x1xf32>
    %jit3A = arith.constant 1.000000e+00 : f32
    %broadcast_in_dim3A = vector.broadcast %jit3A : f32 to vector<256x1xf32>
    %select_n3A = arith.select %eq3A_38, %broadcast_in_dim3A, %slice3A : vector<256x1xi1>, vector<256x1xf32>
    %div3A_39 = vector.broadcast %select_n3A : vector<256x1xf32> to vector<256x32xf32>
    %div3A_40 = arith.divf %mul3A_36, %div3A_39 : vector<256x32xf32>
    %add3A_41 = arith.constant 1.000000e+00 : f32
    %add3A_42 = vector.broadcast %add3A_41 : f32 to vector<256x32xf32>
    %add3A_43 = arith.addf %div3A_40, %add3A_42 : vector<256x32xf32>
    %ne3A = arith.cmpf one, %add3A_43, %add3A_43 : vector<256x32xf32>
    %jit3A_44 = arith.constant 0.000000e+00 : f32
    %broadcast_in_dim3A_45 = vector.broadcast %jit3A_44 : f32 to vector<256x32xf32>
    %select_n3A_46 = arith.select %ne3A, %broadcast_in_dim3A_45, %add3A_43 : vector<256x32xi1>, vector<256x32xf32>
    %eq3A_47 = arith.constant 0x7F800000 : f32
    %eq3A_48 = vector.broadcast %eq3A_47 : f32 to vector<256x32xf32>
    %eq3A_49 = arith.cmpf oeq, %select_n3A_46, %eq3A_48 : vector<256x32xf32>
    %jit3A_50 = arith.constant 1.000000e+00 : f32
    %broadcast_in_dim3A_51 = vector.broadcast %jit3A_50 : f32 to vector<256x32xf32>
    %select_n3A_52 = arith.select %eq3A_49, %broadcast_in_dim3A_51, %select_n3A_46 : vector<256x32xi1>, vector<256x32xf32>
    %eq3A_53 = arith.constant 0xFF800000 : f32
    %eq3A_54 = vector.broadcast %eq3A_53 : f32 to vector<256x32xf32>
    %eq3A_55 = arith.cmpf oeq, %select_n3A_52, %eq3A_54 : vector<256x32xf32>
    %jit3A_56 = arith.constant 1.000000e+00 : f32
    %broadcast_in_dim3A_57 = vector.broadcast %jit3A_56 : f32 to vector<256x32xf32>
    %select_n3A_58 = arith.select %eq3A_55, %broadcast_in_dim3A_57, %select_n3A_52 : vector<256x32xi1>, vector<256x32xf32>
    %jit3A_59 = arith.constant 9.99999974E-6 : f32
    %jit3A_60 = arith.constant 1.000000e+00 : f32
    %max3A_61 = vector.broadcast %jit3A_59 : f32 to vector<256x32xf32>
    %max3A_62 = arith.maximumf %max3A_61, %select_n3A_58 : vector<256x32xf32>
    %min3A = vector.broadcast %jit3A_60 : f32 to vector<256x32xf32>
    %min3A_63 = arith.minimumf %min3A, %max3A_62 : vector<256x32xf32>
    %iota3A = tpu.iota {dimensions = array<i32: 1>} : vector<1x32xi32>
    %broadcast_in_dim3A_64 = arith.constant 0 : i32
    %broadcast_in_dim3A_65 = vector.broadcast %broadcast_in_dim3A_64 : i32 to vector<256x32xi32>
    %slice3A_66 = vector.extract_strided_slice %min3A_63 {offsets = [0, 0], sizes = [256, 1], strides = [1, 1]} : vector<256x32xf32> to vector<256x1xf32>
    %gt3A = vector.broadcast %slice3A_66 : vector<256x1xf32> to vector<256x32xf32>
    %gt3A_67 = arith.cmpf ogt, %gt3A, %min3A_63 : vector<256x32xf32>
    %eq3A_68 = vector.broadcast %slice3A_66 : vector<256x1xf32> to vector<256x32xf32>
    %eq3A_69 = arith.cmpf oeq, %eq3A_68, %min3A_63 : vector<256x32xf32>
    %gt3A_70 = arith.constant 0 : i32
    %gt3A_71 = vector.broadcast %gt3A_70 : i32 to vector<1x32xi32>
    %gt3A_72 = arith.cmpi sgt, %iota3A, %gt3A_71 : vector<1x32xi32>
    %and3A = vector.broadcast %gt3A_72 : vector<1x32xi1> to vector<256x32xi1>
    %and3A_73 = arith.andi %eq3A_69, %and3A : vector<256x32xi1>
    %or3A = arith.ori %gt3A_67, %and3A_73 : vector<256x32xi1>
    %convert_element_type3A = arith.extui %or3A : vector<256x32xi1> to vector<256x32xi32>
    %add3A_74 = arith.addi %broadcast_in_dim3A_65, %convert_element_type3A : vector<256x32xi32>
    %slice3A_75 = vector.extract_strided_slice %min3A_63 {offsets = [0, 1], sizes = [256, 1], strides = [1, 1]} : vector<256x32xf32> to vector<256x1xf32>
    %gt3A_76 = vector.broadcast %slice3A_75 : vector<256x1xf32> to vector<256x32xf32>
    %gt3A_77 = arith.cmpf ogt, %gt3A_76, %min3A_63 : vector<256x32xf32>
    %eq3A_78 = vector.broadcast %slice3A_75 : vector<256x1xf32> to vector<256x32xf32>
    %eq3A_79 = arith.cmpf oeq, %eq3A_78, %min3A_63 : vector<256x32xf32>
    %gt3A_80 = arith.constant 1 : i32
    %gt3A_81 = vector.broadcast %gt3A_80 : i32 to vector<1x32xi32>
    %gt3A_82 = arith.cmpi sgt, %iota3A, %gt3A_81 : vector<1x32xi32>
    %and3A_83 = vector.broadcast %gt3A_82 : vector<1x32xi1> to vector<256x32xi1>
    %and3A_84 = arith.andi %eq3A_79, %and3A_83 : vector<256x32xi1>
    %or3A_85 = arith.ori %gt3A_77, %and3A_84 : vector<256x32xi1>
    %convert_element_type3A_86 = arith.extui %or3A_85 : vector<256x32xi1> to vector<256x32xi32>
    %add3A_87 = arith.addi %add3A_74, %convert_element_type3A_86 : vector<256x32xi32>
    %slice3A_88 = vector.extract_strided_slice %min3A_63 {offsets = [0, 2], sizes = [256, 1], strides = [1, 1]} : vector<256x32xf32> to vector<256x1xf32>
    %gt3A_89 = vector.broadcast %slice3A_88 : vector<256x1xf32> to vector<256x32xf32>
    %gt3A_90 = arith.cmpf ogt, %gt3A_89, %min3A_63 : vector<256x32xf32>
    %eq3A_91 = vector.broadcast %slice3A_88 : vector<256x1xf32> to vector<256x32xf32>
    %eq3A_92 = arith.cmpf oeq, %eq3A_91, %min3A_63 : vector<256x32xf32>
    %gt3A_93 = arith.constant 2 : i32
    %gt3A_94 = vector.broadcast %gt3A_93 : i32 to vector<1x32xi32>
    %gt3A_95 = arith.cmpi sgt, %iota3A, %gt3A_94 : vector<1x32xi32>
    %and3A_96 = vector.broadcast %gt3A_95 : vector<1x32xi1> to vector<256x32xi1>
    %and3A_97 = arith.andi %eq3A_92, %and3A_96 : vector<256x32xi1>
    %or3A_98 = arith.ori %gt3A_90, %and3A_97 : vector<256x32xi1>
    %convert_element_type3A_99 = arith.extui %or3A_98 : vector<256x32xi1> to vector<256x32xi32>
    %add3A_100 = arith.addi %add3A_87, %convert_element_type3A_99 : vector<256x32xi32>
    %slice3A_101 = vector.extract_strided_slice %min3A_63 {offsets = [0, 3], sizes = [256, 1], strides = [1, 1]} : vector<256x32xf32> to vector<256x1xf32>
    %gt3A_102 = vector.broadcast %slice3A_101 : vector<256x1xf32> to vector<256x32xf32>
    %gt3A_103 = arith.cmpf ogt, %gt3A_102, %min3A_63 : vector<256x32xf32>
    %eq3A_104 = vector.broadcast %slice3A_101 : vector<256x1xf32> to vector<256x32xf32>
    %eq3A_105 = arith.cmpf oeq, %eq3A_104, %min3A_63 : vector<256x32xf32>
    %gt3A_106 = arith.constant 3 : i32
    %gt3A_107 = vector.broadcast %gt3A_106 : i32 to vector<1x32xi32>
    %gt3A_108 = arith.cmpi sgt, %iota3A, %gt3A_107 : vector<1x32xi32>
    %and3A_109 = vector.broadcast %gt3A_108 : vector<1x32xi1> to vector<256x32xi1>
    %and3A_110 = arith.andi %eq3A_105, %and3A_109 : vector<256x32xi1>
    %or3A_111 = arith.ori %gt3A_103, %and3A_110 : vector<256x32xi1>
    %convert_element_type3A_112 = arith.extui %or3A_111 : vector<256x32xi1> to vector<256x32xi32>
    %add3A_113 = arith.addi %add3A_100, %convert_element_type3A_112 : vector<256x32xi32>
    %slice3A_114 = vector.extract_strided_slice %min3A_63 {offsets = [0, 4], sizes = [256, 1], strides = [1, 1]} : vector<256x32xf32> to vector<256x1xf32>
    %gt3A_115 = vector.broadcast %slice3A_114 : vector<256x1xf32> to vector<256x32xf32>
    %gt3A_116 = arith.cmpf ogt, %gt3A_115, %min3A_63 : vector<256x32xf32>
    %eq3A_117 = vector.broadcast %slice3A_114 : vector<256x1xf32> to vector<256x32xf32>
    %eq3A_118 = arith.cmpf oeq, %eq3A_117, %min3A_63 : vector<256x32xf32>
    %gt3A_119 = arith.constant 4 : i32
    %gt3A_120 = vector.broadcast %gt3A_119 : i32 to vector<1x32xi32>
    %gt3A_121 = arith.cmpi sgt, %iota3A, %gt3A_120 : vector<1x32xi32>
    %and3A_122 = vector.broadcast %gt3A_121 : vector<1x32xi1> to vector<256x32xi1>
    %and3A_123 = arith.andi %eq3A_118, %and3A_122 : vector<256x32xi1>
    %or3A_124 = arith.ori %gt3A_116, %and3A_123 : vector<256x32xi1>
    %convert_element_type3A_125 = arith.extui %or3A_124 : vector<256x32xi1> to vector<256x32xi32>
    %add3A_126 = arith.addi %add3A_113, %convert_element_type3A_125 : vector<256x32xi32>
    %slice3A_127 = vector.extract_strided_slice %min3A_63 {offsets = [0, 5], sizes = [256, 1], strides = [1, 1]} : vector<256x32xf32> to vector<256x1xf32>
    %gt3A_128 = vector.broadcast %slice3A_127 : vector<256x1xf32> to vector<256x32xf32>
    %gt3A_129 = arith.cmpf ogt, %gt3A_128, %min3A_63 : vector<256x32xf32>
    %eq3A_130 = vector.broadcast %slice3A_127 : vector<256x1xf32> to vector<256x32xf32>
    %eq3A_131 = arith.cmpf oeq, %eq3A_130, %min3A_63 : vector<256x32xf32>
    %gt3A_132 = arith.constant 5 : i32
    %gt3A_133 = vector.broadcast %gt3A_132 : i32 to vector<1x32xi32>
    %gt3A_134 = arith.cmpi sgt, %iota3A, %gt3A_133 : vector<1x32xi32>
    %and3A_135 = vector.broadcast %gt3A_134 : vector<1x32xi1> to vector<256x32xi1>
    %and3A_136 = arith.andi %eq3A_131, %and3A_135 : vector<256x32xi1>
    %or3A_137 = arith.ori %gt3A_129, %and3A_136 : vector<256x32xi1>
    %convert_element_type3A_138 = arith.extui %or3A_137 : vector<256x32xi1> to vector<256x32xi32>
    %add3A_139 = arith.addi %add3A_126, %convert_element_type3A_138 : vector<256x32xi32>
    %slice3A_140 = vector.extract_strided_slice %min3A_63 {offsets = [0, 6], sizes = [256, 1], strides = [1, 1]} : vector<256x32xf32> to vector<256x1xf32>
    %gt3A_141 = vector.broadcast %slice3A_140 : vector<256x1xf32> to vector<256x32xf32>
    %gt3A_142 = arith.cmpf ogt, %gt3A_141, %min3A_63 : vector<256x32xf32>
    %eq3A_143 = vector.broadcast %slice3A_140 : vector<256x1xf32> to vector<256x32xf32>
    %eq3A_144 = arith.cmpf oeq, %eq3A_143, %min3A_63 : vector<256x32xf32>
    %gt3A_145 = arith.constant 6 : i32
    %gt3A_146 = vector.broadcast %gt3A_145 : i32 to vector<1x32xi32>
    %gt3A_147 = arith.cmpi sgt, %iota3A, %gt3A_146 : vector<1x32xi32>
    %and3A_148 = vector.broadcast %gt3A_147 : vector<1x32xi1> to vector<256x32xi1>
    %and3A_149 = arith.andi %eq3A_144, %and3A_148 : vector<256x32xi1>
    %or3A_150 = arith.ori %gt3A_142, %and3A_149 : vector<256x32xi1>
    %convert_element_type3A_151 = arith.extui %or3A_150 : vector<256x32xi1> to vector<256x32xi32>
    %add3A_152 = arith.addi %add3A_139, %convert_element_type3A_151 : vector<256x32xi32>
    %slice3A_153 = vector.extract_strided_slice %min3A_63 {offsets = [0, 7], sizes = [256, 1], strides = [1, 1]} : vector<256x32xf32> to vector<256x1xf32>
    %gt3A_154 = vector.broadcast %slice3A_153 : vector<256x1xf32> to vector<256x32xf32>
    %gt3A_155 = arith.cmpf ogt, %gt3A_154, %min3A_63 : vector<256x32xf32>
    %eq3A_156 = vector.broadcast %slice3A_153 : vector<256x1xf32> to vector<256x32xf32>
    %eq3A_157 = arith.cmpf oeq, %eq3A_156, %min3A_63 : vector<256x32xf32>
    %gt3A_158 = arith.constant 7 : i32
    %gt3A_159 = vector.broadcast %gt3A_158 : i32 to vector<1x32xi32>
    %gt3A_160 = arith.cmpi sgt, %iota3A, %gt3A_159 : vector<1x32xi32>
    %and3A_161 = vector.broadcast %gt3A_160 : vector<1x32xi1> to vector<256x32xi1>
    %and3A_162 = arith.andi %eq3A_157, %and3A_161 : vector<256x32xi1>
    %or3A_163 = arith.ori %gt3A_155, %and3A_162 : vector<256x32xi1>
    %convert_element_type3A_164 = arith.extui %or3A_163 : vector<256x32xi1> to vector<256x32xi32>
    %add3A_165 = arith.addi %add3A_152, %convert_element_type3A_164 : vector<256x32xi32>
    %slice3A_166 = vector.extract_strided_slice %min3A_63 {offsets = [0, 8], sizes = [256, 1], strides = [1, 1]} : vector<256x32xf32> to vector<256x1xf32>
    %gt3A_167 = vector.broadcast %slice3A_166 : vector<256x1xf32> to vector<256x32xf32>
    %gt3A_168 = arith.cmpf ogt, %gt3A_167, %min3A_63 : vector<256x32xf32>
    %eq3A_169 = vector.broadcast %slice3A_166 : vector<256x1xf32> to vector<256x32xf32>
    %eq3A_170 = arith.cmpf oeq, %eq3A_169, %min3A_63 : vector<256x32xf32>
    %gt3A_171 = arith.constant 8 : i32
    %gt3A_172 = vector.broadcast %gt3A_171 : i32 to vector<1x32xi32>
    %gt3A_173 = arith.cmpi sgt, %iota3A, %gt3A_172 : vector<1x32xi32>
    %and3A_174 = vector.broadcast %gt3A_173 : vector<1x32xi1> to vector<256x32xi1>
    %and3A_175 = arith.andi %eq3A_170, %and3A_174 : vector<256x32xi1>
    %or3A_176 = arith.ori %gt3A_168, %and3A_175 : vector<256x32xi1>
    %convert_element_type3A_177 = arith.extui %or3A_176 : vector<256x32xi1> to vector<256x32xi32>
    %add3A_178 = arith.addi %add3A_165, %convert_element_type3A_177 : vector<256x32xi32>
    %slice3A_179 = vector.extract_strided_slice %min3A_63 {offsets = [0, 9], sizes = [256, 1], strides = [1, 1]} : vector<256x32xf32> to vector<256x1xf32>
    %gt3A_180 = vector.broadcast %slice3A_179 : vector<256x1xf32> to vector<256x32xf32>
    %gt3A_181 = arith.cmpf ogt, %gt3A_180, %min3A_63 : vector<256x32xf32>
    %eq3A_182 = vector.broadcast %slice3A_179 : vector<256x1xf32> to vector<256x32xf32>
    %eq3A_183 = arith.cmpf oeq, %eq3A_182, %min3A_63 : vector<256x32xf32>
    %gt3A_184 = arith.constant 9 : i32
    %gt3A_185 = vector.broadcast %gt3A_184 : i32 to vector<1x32xi32>
    %gt3A_186 = arith.cmpi sgt, %iota3A, %gt3A_185 : vector<1x32xi32>
    %and3A_187 = vector.broadcast %gt3A_186 : vector<1x32xi1> to vector<256x32xi1>
    %and3A_188 = arith.andi %eq3A_183, %and3A_187 : vector<256x32xi1>
    %or3A_189 = arith.ori %gt3A_181, %and3A_188 : vector<256x32xi1>
    %convert_element_type3A_190 = arith.extui %or3A_189 : vector<256x32xi1> to vector<256x32xi32>
    %add3A_191 = arith.addi %add3A_178, %convert_element_type3A_190 : vector<256x32xi32>
    %slice3A_192 = vector.extract_strided_slice %min3A_63 {offsets = [0, 10], sizes = [256, 1], strides = [1, 1]} : vector<256x32xf32> to vector<256x1xf32>
    %gt3A_193 = vector.broadcast %slice3A_192 : vector<256x1xf32> to vector<256x32xf32>
    %gt3A_194 = arith.cmpf ogt, %gt3A_193, %min3A_63 : vector<256x32xf32>
    %eq3A_195 = vector.broadcast %slice3A_192 : vector<256x1xf32> to vector<256x32xf32>
    %eq3A_196 = arith.cmpf oeq, %eq3A_195, %min3A_63 : vector<256x32xf32>
    %gt3A_197 = arith.constant 10 : i32
    %gt3A_198 = vector.broadcast %gt3A_197 : i32 to vector<1x32xi32>
    %gt3A_199 = arith.cmpi sgt, %iota3A, %gt3A_198 : vector<1x32xi32>
    %and3A_200 = vector.broadcast %gt3A_199 : vector<1x32xi1> to vector<256x32xi1>
    %and3A_201 = arith.andi %eq3A_196, %and3A_200 : vector<256x32xi1>
    %or3A_202 = arith.ori %gt3A_194, %and3A_201 : vector<256x32xi1>
    %convert_element_type3A_203 = arith.extui %or3A_202 : vector<256x32xi1> to vector<256x32xi32>
    %add3A_204 = arith.addi %add3A_191, %convert_element_type3A_203 : vector<256x32xi32>
    %slice3A_205 = vector.extract_strided_slice %min3A_63 {offsets = [0, 11], sizes = [256, 1], strides = [1, 1]} : vector<256x32xf32> to vector<256x1xf32>
    %gt3A_206 = vector.broadcast %slice3A_205 : vector<256x1xf32> to vector<256x32xf32>
    %gt3A_207 = arith.cmpf ogt, %gt3A_206, %min3A_63 : vector<256x32xf32>
    %eq3A_208 = vector.broadcast %slice3A_205 : vector<256x1xf32> to vector<256x32xf32>
    %eq3A_209 = arith.cmpf oeq, %eq3A_208, %min3A_63 : vector<256x32xf32>
    %gt3A_210 = arith.constant 11 : i32
    %gt3A_211 = vector.broadcast %gt3A_210 : i32 to vector<1x32xi32>
    %gt3A_212 = arith.cmpi sgt, %iota3A, %gt3A_211 : vector<1x32xi32>
    %and3A_213 = vector.broadcast %gt3A_212 : vector<1x32xi1> to vector<256x32xi1>
    %and3A_214 = arith.andi %eq3A_209, %and3A_213 : vector<256x32xi1>
    %or3A_215 = arith.ori %gt3A_207, %and3A_214 : vector<256x32xi1>
    %convert_element_type3A_216 = arith.extui %or3A_215 : vector<256x32xi1> to vector<256x32xi32>
    %add3A_217 = arith.addi %add3A_204, %convert_element_type3A_216 : vector<256x32xi32>
    %slice3A_218 = vector.extract_strided_slice %min3A_63 {offsets = [0, 12], sizes = [256, 1], strides = [1, 1]} : vector<256x32xf32> to vector<256x1xf32>
    %gt3A_219 = vector.broadcast %slice3A_218 : vector<256x1xf32> to vector<256x32xf32>
    %gt3A_220 = arith.cmpf ogt, %gt3A_219, %min3A_63 : vector<256x32xf32>
    %eq3A_221 = vector.broadcast %slice3A_218 : vector<256x1xf32> to vector<256x32xf32>
    %eq3A_222 = arith.cmpf oeq, %eq3A_221, %min3A_63 : vector<256x32xf32>
    %gt3A_223 = arith.constant 12 : i32
    %gt3A_224 = vector.broadcast %gt3A_223 : i32 to vector<1x32xi32>
    %gt3A_225 = arith.cmpi sgt, %iota3A, %gt3A_224 : vector<1x32xi32>
    %and3A_226 = vector.broadcast %gt3A_225 : vector<1x32xi1> to vector<256x32xi1>
    %and3A_227 = arith.andi %eq3A_222, %and3A_226 : vector<256x32xi1>
    %or3A_228 = arith.ori %gt3A_220, %and3A_227 : vector<256x32xi1>
    %convert_element_type3A_229 = arith.extui %or3A_228 : vector<256x32xi1> to vector<256x32xi32>
    %add3A_230 = arith.addi %add3A_217, %convert_element_type3A_229 : vector<256x32xi32>
    %slice3A_231 = vector.extract_strided_slice %min3A_63 {offsets = [0, 13], sizes = [256, 1], strides = [1, 1]} : vector<256x32xf32> to vector<256x1xf32>
    %gt3A_232 = vector.broadcast %slice3A_231 : vector<256x1xf32> to vector<256x32xf32>
    %gt3A_233 = arith.cmpf ogt, %gt3A_232, %min3A_63 : vector<256x32xf32>
    %eq3A_234 = vector.broadcast %slice3A_231 : vector<256x1xf32> to vector<256x32xf32>
    %eq3A_235 = arith.cmpf oeq, %eq3A_234, %min3A_63 : vector<256x32xf32>
    %gt3A_236 = arith.constant 13 : i32
    %gt3A_237 = vector.broadcast %gt3A_236 : i32 to vector<1x32xi32>
    %gt3A_238 = arith.cmpi sgt, %iota3A, %gt3A_237 : vector<1x32xi32>
    %and3A_239 = vector.broadcast %gt3A_238 : vector<1x32xi1> to vector<256x32xi1>
    %and3A_240 = arith.andi %eq3A_235, %and3A_239 : vector<256x32xi1>
    %or3A_241 = arith.ori %gt3A_233, %and3A_240 : vector<256x32xi1>
    %convert_element_type3A_242 = arith.extui %or3A_241 : vector<256x32xi1> to vector<256x32xi32>
    %add3A_243 = arith.addi %add3A_230, %convert_element_type3A_242 : vector<256x32xi32>
    %slice3A_244 = vector.extract_strided_slice %min3A_63 {offsets = [0, 14], sizes = [256, 1], strides = [1, 1]} : vector<256x32xf32> to vector<256x1xf32>
    %gt3A_245 = vector.broadcast %slice3A_244 : vector<256x1xf32> to vector<256x32xf32>
    %gt3A_246 = arith.cmpf ogt, %gt3A_245, %min3A_63 : vector<256x32xf32>
    %eq3A_247 = vector.broadcast %slice3A_244 : vector<256x1xf32> to vector<256x32xf32>
    %eq3A_248 = arith.cmpf oeq, %eq3A_247, %min3A_63 : vector<256x32xf32>
    %gt3A_249 = arith.constant 14 : i32
    %gt3A_250 = vector.broadcast %gt3A_249 : i32 to vector<1x32xi32>
    %gt3A_251 = arith.cmpi sgt, %iota3A, %gt3A_250 : vector<1x32xi32>
    %and3A_252 = vector.broadcast %gt3A_251 : vector<1x32xi1> to vector<256x32xi1>
    %and3A_253 = arith.andi %eq3A_248, %and3A_252 : vector<256x32xi1>
    %or3A_254 = arith.ori %gt3A_246, %and3A_253 : vector<256x32xi1>
    %convert_element_type3A_255 = arith.extui %or3A_254 : vector<256x32xi1> to vector<256x32xi32>
    %add3A_256 = arith.addi %add3A_243, %convert_element_type3A_255 : vector<256x32xi32>
    %slice3A_257 = vector.extract_strided_slice %min3A_63 {offsets = [0, 15], sizes = [256, 1], strides = [1, 1]} : vector<256x32xf32> to vector<256x1xf32>
    %gt3A_258 = vector.broadcast %slice3A_257 : vector<256x1xf32> to vector<256x32xf32>
    %gt3A_259 = arith.cmpf ogt, %gt3A_258, %min3A_63 : vector<256x32xf32>
    %eq3A_260 = vector.broadcast %slice3A_257 : vector<256x1xf32> to vector<256x32xf32>
    %eq3A_261 = arith.cmpf oeq, %eq3A_260, %min3A_63 : vector<256x32xf32>
    %gt3A_262 = arith.constant 15 : i32
    %gt3A_263 = vector.broadcast %gt3A_262 : i32 to vector<1x32xi32>
    %gt3A_264 = arith.cmpi sgt, %iota3A, %gt3A_263 : vector<1x32xi32>
    %and3A_265 = vector.broadcast %gt3A_264 : vector<1x32xi1> to vector<256x32xi1>
    %and3A_266 = arith.andi %eq3A_261, %and3A_265 : vector<256x32xi1>
    %or3A_267 = arith.ori %gt3A_259, %and3A_266 : vector<256x32xi1>
    %convert_element_type3A_268 = arith.extui %or3A_267 : vector<256x32xi1> to vector<256x32xi32>
    %add3A_269 = arith.addi %add3A_256, %convert_element_type3A_268 : vector<256x32xi32>
    %slice3A_270 = vector.extract_strided_slice %min3A_63 {offsets = [0, 16], sizes = [256, 1], strides = [1, 1]} : vector<256x32xf32> to vector<256x1xf32>
    %gt3A_271 = vector.broadcast %slice3A_270 : vector<256x1xf32> to vector<256x32xf32>
    %gt3A_272 = arith.cmpf ogt, %gt3A_271, %min3A_63 : vector<256x32xf32>
    %eq3A_273 = vector.broadcast %slice3A_270 : vector<256x1xf32> to vector<256x32xf32>
    %eq3A_274 = arith.cmpf oeq, %eq3A_273, %min3A_63 : vector<256x32xf32>
    %gt3A_275 = arith.constant 16 : i32
    %gt3A_276 = vector.broadcast %gt3A_275 : i32 to vector<1x32xi32>
    %gt3A_277 = arith.cmpi sgt, %iota3A, %gt3A_276 : vector<1x32xi32>
    %and3A_278 = vector.broadcast %gt3A_277 : vector<1x32xi1> to vector<256x32xi1>
    %and3A_279 = arith.andi %eq3A_274, %and3A_278 : vector<256x32xi1>
    %or3A_280 = arith.ori %gt3A_272, %and3A_279 : vector<256x32xi1>
    %convert_element_type3A_281 = arith.extui %or3A_280 : vector<256x32xi1> to vector<256x32xi32>
    %add3A_282 = arith.addi %add3A_269, %convert_element_type3A_281 : vector<256x32xi32>
    %slice3A_283 = vector.extract_strided_slice %min3A_63 {offsets = [0, 17], sizes = [256, 1], strides = [1, 1]} : vector<256x32xf32> to vector<256x1xf32>
    %gt3A_284 = vector.broadcast %slice3A_283 : vector<256x1xf32> to vector<256x32xf32>
    %gt3A_285 = arith.cmpf ogt, %gt3A_284, %min3A_63 : vector<256x32xf32>
    %eq3A_286 = vector.broadcast %slice3A_283 : vector<256x1xf32> to vector<256x32xf32>
    %eq3A_287 = arith.cmpf oeq, %eq3A_286, %min3A_63 : vector<256x32xf32>
    %gt3A_288 = arith.constant 17 : i32
    %gt3A_289 = vector.broadcast %gt3A_288 : i32 to vector<1x32xi32>
    %gt3A_290 = arith.cmpi sgt, %iota3A, %gt3A_289 : vector<1x32xi32>
    %and3A_291 = vector.broadcast %gt3A_290 : vector<1x32xi1> to vector<256x32xi1>
    %and3A_292 = arith.andi %eq3A_287, %and3A_291 : vector<256x32xi1>
    %or3A_293 = arith.ori %gt3A_285, %and3A_292 : vector<256x32xi1>
    %convert_element_type3A_294 = arith.extui %or3A_293 : vector<256x32xi1> to vector<256x32xi32>
    %add3A_295 = arith.addi %add3A_282, %convert_element_type3A_294 : vector<256x32xi32>
    %slice3A_296 = vector.extract_strided_slice %min3A_63 {offsets = [0, 18], sizes = [256, 1], strides = [1, 1]} : vector<256x32xf32> to vector<256x1xf32>
    %gt3A_297 = vector.broadcast %slice3A_296 : vector<256x1xf32> to vector<256x32xf32>
    %gt3A_298 = arith.cmpf ogt, %gt3A_297, %min3A_63 : vector<256x32xf32>
    %eq3A_299 = vector.broadcast %slice3A_296 : vector<256x1xf32> to vector<256x32xf32>
    %eq3A_300 = arith.cmpf oeq, %eq3A_299, %min3A_63 : vector<256x32xf32>
    %gt3A_301 = arith.constant 18 : i32
    %gt3A_302 = vector.broadcast %gt3A_301 : i32 to vector<1x32xi32>
    %gt3A_303 = arith.cmpi sgt, %iota3A, %gt3A_302 : vector<1x32xi32>
    %and3A_304 = vector.broadcast %gt3A_303 : vector<1x32xi1> to vector<256x32xi1>
    %and3A_305 = arith.andi %eq3A_300, %and3A_304 : vector<256x32xi1>
    %or3A_306 = arith.ori %gt3A_298, %and3A_305 : vector<256x32xi1>
    %convert_element_type3A_307 = arith.extui %or3A_306 : vector<256x32xi1> to vector<256x32xi32>
    %add3A_308 = arith.addi %add3A_295, %convert_element_type3A_307 : vector<256x32xi32>
    %slice3A_309 = vector.extract_strided_slice %min3A_63 {offsets = [0, 19], sizes = [256, 1], strides = [1, 1]} : vector<256x32xf32> to vector<256x1xf32>
    %gt3A_310 = vector.broadcast %slice3A_309 : vector<256x1xf32> to vector<256x32xf32>
    %gt3A_311 = arith.cmpf ogt, %gt3A_310, %min3A_63 : vector<256x32xf32>
    %eq3A_312 = vector.broadcast %slice3A_309 : vector<256x1xf32> to vector<256x32xf32>
    %eq3A_313 = arith.cmpf oeq, %eq3A_312, %min3A_63 : vector<256x32xf32>
    %gt3A_314 = arith.constant 19 : i32
    %gt3A_315 = vector.broadcast %gt3A_314 : i32 to vector<1x32xi32>
    %gt3A_316 = arith.cmpi sgt, %iota3A, %gt3A_315 : vector<1x32xi32>
    %and3A_317 = vector.broadcast %gt3A_316 : vector<1x32xi1> to vector<256x32xi1>
    %and3A_318 = arith.andi %eq3A_313, %and3A_317 : vector<256x32xi1>
    %or3A_319 = arith.ori %gt3A_311, %and3A_318 : vector<256x32xi1>
    %convert_element_type3A_320 = arith.extui %or3A_319 : vector<256x32xi1> to vector<256x32xi32>
    %add3A_321 = arith.addi %add3A_308, %convert_element_type3A_320 : vector<256x32xi32>
    %slice3A_322 = vector.extract_strided_slice %min3A_63 {offsets = [0, 20], sizes = [256, 1], strides = [1, 1]} : vector<256x32xf32> to vector<256x1xf32>
    %gt3A_323 = vector.broadcast %slice3A_322 : vector<256x1xf32> to vector<256x32xf32>
    %gt3A_324 = arith.cmpf ogt, %gt3A_323, %min3A_63 : vector<256x32xf32>
    %eq3A_325 = vector.broadcast %slice3A_322 : vector<256x1xf32> to vector<256x32xf32>
    %eq3A_326 = arith.cmpf oeq, %eq3A_325, %min3A_63 : vector<256x32xf32>
    %gt3A_327 = arith.constant 20 : i32
    %gt3A_328 = vector.broadcast %gt3A_327 : i32 to vector<1x32xi32>
    %gt3A_329 = arith.cmpi sgt, %iota3A, %gt3A_328 : vector<1x32xi32>
    %and3A_330 = vector.broadcast %gt3A_329 : vector<1x32xi1> to vector<256x32xi1>
    %and3A_331 = arith.andi %eq3A_326, %and3A_330 : vector<256x32xi1>
    %or3A_332 = arith.ori %gt3A_324, %and3A_331 : vector<256x32xi1>
    %convert_element_type3A_333 = arith.extui %or3A_332 : vector<256x32xi1> to vector<256x32xi32>
    %add3A_334 = arith.addi %add3A_321, %convert_element_type3A_333 : vector<256x32xi32>
    %slice3A_335 = vector.extract_strided_slice %min3A_63 {offsets = [0, 21], sizes = [256, 1], strides = [1, 1]} : vector<256x32xf32> to vector<256x1xf32>
    %gt3A_336 = vector.broadcast %slice3A_335 : vector<256x1xf32> to vector<256x32xf32>
    %gt3A_337 = arith.cmpf ogt, %gt3A_336, %min3A_63 : vector<256x32xf32>
    %eq3A_338 = vector.broadcast %slice3A_335 : vector<256x1xf32> to vector<256x32xf32>
    %eq3A_339 = arith.cmpf oeq, %eq3A_338, %min3A_63 : vector<256x32xf32>
    %gt3A_340 = arith.constant 21 : i32
    %gt3A_341 = vector.broadcast %gt3A_340 : i32 to vector<1x32xi32>
    %gt3A_342 = arith.cmpi sgt, %iota3A, %gt3A_341 : vector<1x32xi32>
    %and3A_343 = vector.broadcast %gt3A_342 : vector<1x32xi1> to vector<256x32xi1>
    %and3A_344 = arith.andi %eq3A_339, %and3A_343 : vector<256x32xi1>
    %or3A_345 = arith.ori %gt3A_337, %and3A_344 : vector<256x32xi1>
    %convert_element_type3A_346 = arith.extui %or3A_345 : vector<256x32xi1> to vector<256x32xi32>
    %add3A_347 = arith.addi %add3A_334, %convert_element_type3A_346 : vector<256x32xi32>
    %slice3A_348 = vector.extract_strided_slice %min3A_63 {offsets = [0, 22], sizes = [256, 1], strides = [1, 1]} : vector<256x32xf32> to vector<256x1xf32>
    %gt3A_349 = vector.broadcast %slice3A_348 : vector<256x1xf32> to vector<256x32xf32>
    %gt3A_350 = arith.cmpf ogt, %gt3A_349, %min3A_63 : vector<256x32xf32>
    %eq3A_351 = vector.broadcast %slice3A_348 : vector<256x1xf32> to vector<256x32xf32>
    %eq3A_352 = arith.cmpf oeq, %eq3A_351, %min3A_63 : vector<256x32xf32>
    %gt3A_353 = arith.constant 22 : i32
    %gt3A_354 = vector.broadcast %gt3A_353 : i32 to vector<1x32xi32>
    %gt3A_355 = arith.cmpi sgt, %iota3A, %gt3A_354 : vector<1x32xi32>
    %and3A_356 = vector.broadcast %gt3A_355 : vector<1x32xi1> to vector<256x32xi1>
    %and3A_357 = arith.andi %eq3A_352, %and3A_356 : vector<256x32xi1>
    %or3A_358 = arith.ori %gt3A_350, %and3A_357 : vector<256x32xi1>
    %convert_element_type3A_359 = arith.extui %or3A_358 : vector<256x32xi1> to vector<256x32xi32>
    %add3A_360 = arith.addi %add3A_347, %convert_element_type3A_359 : vector<256x32xi32>
    %slice3A_361 = vector.extract_strided_slice %min3A_63 {offsets = [0, 23], sizes = [256, 1], strides = [1, 1]} : vector<256x32xf32> to vector<256x1xf32>
    %gt3A_362 = vector.broadcast %slice3A_361 : vector<256x1xf32> to vector<256x32xf32>
    %gt3A_363 = arith.cmpf ogt, %gt3A_362, %min3A_63 : vector<256x32xf32>
    %eq3A_364 = vector.broadcast %slice3A_361 : vector<256x1xf32> to vector<256x32xf32>
    %eq3A_365 = arith.cmpf oeq, %eq3A_364, %min3A_63 : vector<256x32xf32>
    %gt3A_366 = arith.constant 23 : i32
    %gt3A_367 = vector.broadcast %gt3A_366 : i32 to vector<1x32xi32>
    %gt3A_368 = arith.cmpi sgt, %iota3A, %gt3A_367 : vector<1x32xi32>
    %and3A_369 = vector.broadcast %gt3A_368 : vector<1x32xi1> to vector<256x32xi1>
    %and3A_370 = arith.andi %eq3A_365, %and3A_369 : vector<256x32xi1>
    %or3A_371 = arith.ori %gt3A_363, %and3A_370 : vector<256x32xi1>
    %convert_element_type3A_372 = arith.extui %or3A_371 : vector<256x32xi1> to vector<256x32xi32>
    %add3A_373 = arith.addi %add3A_360, %convert_element_type3A_372 : vector<256x32xi32>
    %slice3A_374 = vector.extract_strided_slice %min3A_63 {offsets = [0, 24], sizes = [256, 1], strides = [1, 1]} : vector<256x32xf32> to vector<256x1xf32>
    %gt3A_375 = vector.broadcast %slice3A_374 : vector<256x1xf32> to vector<256x32xf32>
    %gt3A_376 = arith.cmpf ogt, %gt3A_375, %min3A_63 : vector<256x32xf32>
    %eq3A_377 = vector.broadcast %slice3A_374 : vector<256x1xf32> to vector<256x32xf32>
    %eq3A_378 = arith.cmpf oeq, %eq3A_377, %min3A_63 : vector<256x32xf32>
    %gt3A_379 = arith.constant 24 : i32
    %gt3A_380 = vector.broadcast %gt3A_379 : i32 to vector<1x32xi32>
    %gt3A_381 = arith.cmpi sgt, %iota3A, %gt3A_380 : vector<1x32xi32>
    %and3A_382 = vector.broadcast %gt3A_381 : vector<1x32xi1> to vector<256x32xi1>
    %and3A_383 = arith.andi %eq3A_378, %and3A_382 : vector<256x32xi1>
    %or3A_384 = arith.ori %gt3A_376, %and3A_383 : vector<256x32xi1>
    %convert_element_type3A_385 = arith.extui %or3A_384 : vector<256x32xi1> to vector<256x32xi32>
    %add3A_386 = arith.addi %add3A_373, %convert_element_type3A_385 : vector<256x32xi32>
    %slice3A_387 = vector.extract_strided_slice %min3A_63 {offsets = [0, 25], sizes = [256, 1], strides = [1, 1]} : vector<256x32xf32> to vector<256x1xf32>
    %gt3A_388 = vector.broadcast %slice3A_387 : vector<256x1xf32> to vector<256x32xf32>
    %gt3A_389 = arith.cmpf ogt, %gt3A_388, %min3A_63 : vector<256x32xf32>
    %eq3A_390 = vector.broadcast %slice3A_387 : vector<256x1xf32> to vector<256x32xf32>
    %eq3A_391 = arith.cmpf oeq, %eq3A_390, %min3A_63 : vector<256x32xf32>
    %gt3A_392 = arith.constant 25 : i32
    %gt3A_393 = vector.broadcast %gt3A_392 : i32 to vector<1x32xi32>
    %gt3A_394 = arith.cmpi sgt, %iota3A, %gt3A_393 : vector<1x32xi32>
    %and3A_395 = vector.broadcast %gt3A_394 : vector<1x32xi1> to vector<256x32xi1>
    %and3A_396 = arith.andi %eq3A_391, %and3A_395 : vector<256x32xi1>
    %or3A_397 = arith.ori %gt3A_389, %and3A_396 : vector<256x32xi1>
    %convert_element_type3A_398 = arith.extui %or3A_397 : vector<256x32xi1> to vector<256x32xi32>
    %add3A_399 = arith.addi %add3A_386, %convert_element_type3A_398 : vector<256x32xi32>
    %slice3A_400 = vector.extract_strided_slice %min3A_63 {offsets = [0, 26], sizes = [256, 1], strides = [1, 1]} : vector<256x32xf32> to vector<256x1xf32>
    %gt3A_401 = vector.broadcast %slice3A_400 : vector<256x1xf32> to vector<256x32xf32>
    %gt3A_402 = arith.cmpf ogt, %gt3A_401, %min3A_63 : vector<256x32xf32>
    %eq3A_403 = vector.broadcast %slice3A_400 : vector<256x1xf32> to vector<256x32xf32>
    %eq3A_404 = arith.cmpf oeq, %eq3A_403, %min3A_63 : vector<256x32xf32>
    %gt3A_405 = arith.constant 26 : i32
    %gt3A_406 = vector.broadcast %gt3A_405 : i32 to vector<1x32xi32>
    %gt3A_407 = arith.cmpi sgt, %iota3A, %gt3A_406 : vector<1x32xi32>
    %and3A_408 = vector.broadcast %gt3A_407 : vector<1x32xi1> to vector<256x32xi1>
    %and3A_409 = arith.andi %eq3A_404, %and3A_408 : vector<256x32xi1>
    %or3A_410 = arith.ori %gt3A_402, %and3A_409 : vector<256x32xi1>
    %convert_element_type3A_411 = arith.extui %or3A_410 : vector<256x32xi1> to vector<256x32xi32>
    %add3A_412 = arith.addi %add3A_399, %convert_element_type3A_411 : vector<256x32xi32>
    %slice3A_413 = vector.extract_strided_slice %min3A_63 {offsets = [0, 27], sizes = [256, 1], strides = [1, 1]} : vector<256x32xf32> to vector<256x1xf32>
    %gt3A_414 = vector.broadcast %slice3A_413 : vector<256x1xf32> to vector<256x32xf32>
    %gt3A_415 = arith.cmpf ogt, %gt3A_414, %min3A_63 : vector<256x32xf32>
    %eq3A_416 = vector.broadcast %slice3A_413 : vector<256x1xf32> to vector<256x32xf32>
    %eq3A_417 = arith.cmpf oeq, %eq3A_416, %min3A_63 : vector<256x32xf32>
    %gt3A_418 = arith.constant 27 : i32
    %gt3A_419 = vector.broadcast %gt3A_418 : i32 to vector<1x32xi32>
    %gt3A_420 = arith.cmpi sgt, %iota3A, %gt3A_419 : vector<1x32xi32>
    %and3A_421 = vector.broadcast %gt3A_420 : vector<1x32xi1> to vector<256x32xi1>
    %and3A_422 = arith.andi %eq3A_417, %and3A_421 : vector<256x32xi1>
    %or3A_423 = arith.ori %gt3A_415, %and3A_422 : vector<256x32xi1>
    %convert_element_type3A_424 = arith.extui %or3A_423 : vector<256x32xi1> to vector<256x32xi32>
    %add3A_425 = arith.addi %add3A_412, %convert_element_type3A_424 : vector<256x32xi32>
    %slice3A_426 = vector.extract_strided_slice %min3A_63 {offsets = [0, 28], sizes = [256, 1], strides = [1, 1]} : vector<256x32xf32> to vector<256x1xf32>
    %gt3A_427 = vector.broadcast %slice3A_426 : vector<256x1xf32> to vector<256x32xf32>
    %gt3A_428 = arith.cmpf ogt, %gt3A_427, %min3A_63 : vector<256x32xf32>
    %eq3A_429 = vector.broadcast %slice3A_426 : vector<256x1xf32> to vector<256x32xf32>
    %eq3A_430 = arith.cmpf oeq, %eq3A_429, %min3A_63 : vector<256x32xf32>
    %gt3A_431 = arith.constant 28 : i32
    %gt3A_432 = vector.broadcast %gt3A_431 : i32 to vector<1x32xi32>
    %gt3A_433 = arith.cmpi sgt, %iota3A, %gt3A_432 : vector<1x32xi32>
    %and3A_434 = vector.broadcast %gt3A_433 : vector<1x32xi1> to vector<256x32xi1>
    %and3A_435 = arith.andi %eq3A_430, %and3A_434 : vector<256x32xi1>
    %or3A_436 = arith.ori %gt3A_428, %and3A_435 : vector<256x32xi1>
    %convert_element_type3A_437 = arith.extui %or3A_436 : vector<256x32xi1> to vector<256x32xi32>
    %add3A_438 = arith.addi %add3A_425, %convert_element_type3A_437 : vector<256x32xi32>
    %slice3A_439 = vector.extract_strided_slice %min3A_63 {offsets = [0, 29], sizes = [256, 1], strides = [1, 1]} : vector<256x32xf32> to vector<256x1xf32>
    %gt3A_440 = vector.broadcast %slice3A_439 : vector<256x1xf32> to vector<256x32xf32>
    %gt3A_441 = arith.cmpf ogt, %gt3A_440, %min3A_63 : vector<256x32xf32>
    %eq3A_442 = vector.broadcast %slice3A_439 : vector<256x1xf32> to vector<256x32xf32>
    %eq3A_443 = arith.cmpf oeq, %eq3A_442, %min3A_63 : vector<256x32xf32>
    %gt3A_444 = arith.constant 29 : i32
    %gt3A_445 = vector.broadcast %gt3A_444 : i32 to vector<1x32xi32>
    %gt3A_446 = arith.cmpi sgt, %iota3A, %gt3A_445 : vector<1x32xi32>
    %and3A_447 = vector.broadcast %gt3A_446 : vector<1x32xi1> to vector<256x32xi1>
    %and3A_448 = arith.andi %eq3A_443, %and3A_447 : vector<256x32xi1>
    %or3A_449 = arith.ori %gt3A_441, %and3A_448 : vector<256x32xi1>
    %convert_element_type3A_450 = arith.extui %or3A_449 : vector<256x32xi1> to vector<256x32xi32>
    %add3A_451 = arith.addi %add3A_438, %convert_element_type3A_450 : vector<256x32xi32>
    %slice3A_452 = vector.extract_strided_slice %min3A_63 {offsets = [0, 30], sizes = [256, 1], strides = [1, 1]} : vector<256x32xf32> to vector<256x1xf32>
    %gt3A_453 = vector.broadcast %slice3A_452 : vector<256x1xf32> to vector<256x32xf32>
    %gt3A_454 = arith.cmpf ogt, %gt3A_453, %min3A_63 : vector<256x32xf32>
    %eq3A_455 = vector.broadcast %slice3A_452 : vector<256x1xf32> to vector<256x32xf32>
    %eq3A_456 = arith.cmpf oeq, %eq3A_455, %min3A_63 : vector<256x32xf32>
    %gt3A_457 = arith.constant 30 : i32
    %gt3A_458 = vector.broadcast %gt3A_457 : i32 to vector<1x32xi32>
    %gt3A_459 = arith.cmpi sgt, %iota3A, %gt3A_458 : vector<1x32xi32>
    %and3A_460 = vector.broadcast %gt3A_459 : vector<1x32xi1> to vector<256x32xi1>
    %and3A_461 = arith.andi %eq3A_456, %and3A_460 : vector<256x32xi1>
    %or3A_462 = arith.ori %gt3A_454, %and3A_461 : vector<256x32xi1>
    %convert_element_type3A_463 = arith.extui %or3A_462 : vector<256x32xi1> to vector<256x32xi32>
    %add3A_464 = arith.addi %add3A_451, %convert_element_type3A_463 : vector<256x32xi32>
    %slice3A_465 = vector.extract_strided_slice %min3A_63 {offsets = [0, 31], sizes = [256, 1], strides = [1, 1]} : vector<256x32xf32> to vector<256x1xf32>
    %gt3A_466 = vector.broadcast %slice3A_465 : vector<256x1xf32> to vector<256x32xf32>
    %gt3A_467 = arith.cmpf ogt, %gt3A_466, %min3A_63 : vector<256x32xf32>
    %eq3A_468 = vector.broadcast %slice3A_465 : vector<256x1xf32> to vector<256x32xf32>
    %eq3A_469 = arith.cmpf oeq, %eq3A_468, %min3A_63 : vector<256x32xf32>
    %gt3A_470 = arith.constant 31 : i32
    %gt3A_471 = vector.broadcast %gt3A_470 : i32 to vector<1x32xi32>
    %gt3A_472 = arith.cmpi sgt, %iota3A, %gt3A_471 : vector<1x32xi32>
    %and3A_473 = vector.broadcast %gt3A_472 : vector<1x32xi1> to vector<256x32xi1>
    %and3A_474 = arith.andi %eq3A_469, %and3A_473 : vector<256x32xi1>
    %or3A_475 = arith.ori %gt3A_467, %and3A_474 : vector<256x32xi1>
    %convert_element_type3A_476 = arith.extui %or3A_475 : vector<256x32xi1> to vector<256x32xi32>
    %add3A_477 = arith.addi %add3A_464, %convert_element_type3A_476 : vector<256x32xi32>
    %iota3A_478 = tpu.iota {dimensions = array<i32: 1>} : vector<1x16xi32>
    %broadcast_in_dim3A_479 = arith.constant 0.000000e+00 : f32
    %broadcast_in_dim3A_480 = vector.broadcast %broadcast_in_dim3A_479 : f32 to vector<256x16xf32>
    %broadcast_in_dim3A_481 = arith.constant 0 : i32
    %broadcast_in_dim3A_482 = vector.broadcast %broadcast_in_dim3A_481 : i32 to vector<256x16xi32>
    %slice3A_483 = vector.extract_strided_slice %add3A_477 {offsets = [0, 0], sizes = [256, 1], strides = [1, 1]} : vector<256x32xi32> to vector<256x1xi32>
    %eq3A_484 = vector.broadcast %slice3A_483 : vector<256x1xi32> to vector<256x16xi32>
    %eq3A_485 = vector.broadcast %iota3A_478 : vector<1x16xi32> to vector<256x16xi32>
    %eq3A_486 = arith.cmpi eq, %eq3A_484, %eq3A_485 : vector<256x16xi32>
    %slice3A_487 = vector.extract_strided_slice %min3A_63 {offsets = [0, 0], sizes = [256, 1], strides = [1, 1]} : vector<256x32xf32> to vector<256x1xf32>
    %broadcast_in_dim3A_488 = vector.shape_cast %slice3A_487 : vector<256x1xf32> to vector<256x1xf32>
    %broadcast_in_dim3A_489 = vector.broadcast %broadcast_in_dim3A_488 : vector<256x1xf32> to vector<256x16xf32>
    %select_n3A_490 = arith.select %eq3A_486, %broadcast_in_dim3A_489, %broadcast_in_dim3A_480 : vector<256x16xi1>, vector<256x16xf32>
    %slice3A_491 = vector.extract_strided_slice %get3A_19 {offsets = [0, 0], sizes = [256, 1], strides = [1, 1]} : vector<256x32xi32> to vector<256x1xi32>
    %broadcast_in_dim3A_492 = vector.shape_cast %slice3A_491 : vector<256x1xi32> to vector<256x1xi32>
    %broadcast_in_dim3A_493 = vector.broadcast %broadcast_in_dim3A_492 : vector<256x1xi32> to vector<256x16xi32>
    %select_n3A_494 = arith.select %eq3A_486, %broadcast_in_dim3A_493, %broadcast_in_dim3A_482 : vector<256x16xi1>, vector<256x16xi32>
    %slice3A_495 = vector.extract_strided_slice %add3A_477 {offsets = [0, 1], sizes = [256, 1], strides = [1, 1]} : vector<256x32xi32> to vector<256x1xi32>
    %eq3A_496 = vector.broadcast %slice3A_495 : vector<256x1xi32> to vector<256x16xi32>
    %eq3A_497 = vector.broadcast %iota3A_478 : vector<1x16xi32> to vector<256x16xi32>
    %eq3A_498 = arith.cmpi eq, %eq3A_496, %eq3A_497 : vector<256x16xi32>
    %slice3A_499 = vector.extract_strided_slice %min3A_63 {offsets = [0, 1], sizes = [256, 1], strides = [1, 1]} : vector<256x32xf32> to vector<256x1xf32>
    %broadcast_in_dim3A_500 = vector.shape_cast %slice3A_499 : vector<256x1xf32> to vector<256x1xf32>
    %broadcast_in_dim3A_501 = vector.broadcast %broadcast_in_dim3A_500 : vector<256x1xf32> to vector<256x16xf32>
    %select_n3A_502 = arith.select %eq3A_498, %broadcast_in_dim3A_501, %select_n3A_490 : vector<256x16xi1>, vector<256x16xf32>
    %slice3A_503 = vector.extract_strided_slice %get3A_19 {offsets = [0, 1], sizes = [256, 1], strides = [1, 1]} : vector<256x32xi32> to vector<256x1xi32>
    %broadcast_in_dim3A_504 = vector.shape_cast %slice3A_503 : vector<256x1xi32> to vector<256x1xi32>
    %broadcast_in_dim3A_505 = vector.broadcast %broadcast_in_dim3A_504 : vector<256x1xi32> to vector<256x16xi32>
    %select_n3A_506 = arith.select %eq3A_498, %broadcast_in_dim3A_505, %select_n3A_494 : vector<256x16xi1>, vector<256x16xi32>
    %slice3A_507 = vector.extract_strided_slice %add3A_477 {offsets = [0, 2], sizes = [256, 1], strides = [1, 1]} : vector<256x32xi32> to vector<256x1xi32>
    %eq3A_508 = vector.broadcast %slice3A_507 : vector<256x1xi32> to vector<256x16xi32>
    %eq3A_509 = vector.broadcast %iota3A_478 : vector<1x16xi32> to vector<256x16xi32>
    %eq3A_510 = arith.cmpi eq, %eq3A_508, %eq3A_509 : vector<256x16xi32>
    %slice3A_511 = vector.extract_strided_slice %min3A_63 {offsets = [0, 2], sizes = [256, 1], strides = [1, 1]} : vector<256x32xf32> to vector<256x1xf32>
    %broadcast_in_dim3A_512 = vector.shape_cast %slice3A_511 : vector<256x1xf32> to vector<256x1xf32>
    %broadcast_in_dim3A_513 = vector.broadcast %broadcast_in_dim3A_512 : vector<256x1xf32> to vector<256x16xf32>
    %select_n3A_514 = arith.select %eq3A_510, %broadcast_in_dim3A_513, %select_n3A_502 : vector<256x16xi1>, vector<256x16xf32>
    %slice3A_515 = vector.extract_strided_slice %get3A_19 {offsets = [0, 2], sizes = [256, 1], strides = [1, 1]} : vector<256x32xi32> to vector<256x1xi32>
    %broadcast_in_dim3A_516 = vector.shape_cast %slice3A_515 : vector<256x1xi32> to vector<256x1xi32>
    %broadcast_in_dim3A_517 = vector.broadcast %broadcast_in_dim3A_516 : vector<256x1xi32> to vector<256x16xi32>
    %select_n3A_518 = arith.select %eq3A_510, %broadcast_in_dim3A_517, %select_n3A_506 : vector<256x16xi1>, vector<256x16xi32>
    %slice3A_519 = vector.extract_strided_slice %add3A_477 {offsets = [0, 3], sizes = [256, 1], strides = [1, 1]} : vector<256x32xi32> to vector<256x1xi32>
    %eq3A_520 = vector.broadcast %slice3A_519 : vector<256x1xi32> to vector<256x16xi32>
    %eq3A_521 = vector.broadcast %iota3A_478 : vector<1x16xi32> to vector<256x16xi32>
    %eq3A_522 = arith.cmpi eq, %eq3A_520, %eq3A_521 : vector<256x16xi32>
    %slice3A_523 = vector.extract_strided_slice %min3A_63 {offsets = [0, 3], sizes = [256, 1], strides = [1, 1]} : vector<256x32xf32> to vector<256x1xf32>
    %broadcast_in_dim3A_524 = vector.shape_cast %slice3A_523 : vector<256x1xf32> to vector<256x1xf32>
    %broadcast_in_dim3A_525 = vector.broadcast %broadcast_in_dim3A_524 : vector<256x1xf32> to vector<256x16xf32>
    %select_n3A_526 = arith.select %eq3A_522, %broadcast_in_dim3A_525, %select_n3A_514 : vector<256x16xi1>, vector<256x16xf32>
    %slice3A_527 = vector.extract_strided_slice %get3A_19 {offsets = [0, 3], sizes = [256, 1], strides = [1, 1]} : vector<256x32xi32> to vector<256x1xi32>
    %broadcast_in_dim3A_528 = vector.shape_cast %slice3A_527 : vector<256x1xi32> to vector<256x1xi32>
    %broadcast_in_dim3A_529 = vector.broadcast %broadcast_in_dim3A_528 : vector<256x1xi32> to vector<256x16xi32>
    %select_n3A_530 = arith.select %eq3A_522, %broadcast_in_dim3A_529, %select_n3A_518 : vector<256x16xi1>, vector<256x16xi32>
    %slice3A_531 = vector.extract_strided_slice %add3A_477 {offsets = [0, 4], sizes = [256, 1], strides = [1, 1]} : vector<256x32xi32> to vector<256x1xi32>
    %eq3A_532 = vector.broadcast %slice3A_531 : vector<256x1xi32> to vector<256x16xi32>
    %eq3A_533 = vector.broadcast %iota3A_478 : vector<1x16xi32> to vector<256x16xi32>
    %eq3A_534 = arith.cmpi eq, %eq3A_532, %eq3A_533 : vector<256x16xi32>
    %slice3A_535 = vector.extract_strided_slice %min3A_63 {offsets = [0, 4], sizes = [256, 1], strides = [1, 1]} : vector<256x32xf32> to vector<256x1xf32>
    %broadcast_in_dim3A_536 = vector.shape_cast %slice3A_535 : vector<256x1xf32> to vector<256x1xf32>
    %broadcast_in_dim3A_537 = vector.broadcast %broadcast_in_dim3A_536 : vector<256x1xf32> to vector<256x16xf32>
    %select_n3A_538 = arith.select %eq3A_534, %broadcast_in_dim3A_537, %select_n3A_526 : vector<256x16xi1>, vector<256x16xf32>
    %slice3A_539 = vector.extract_strided_slice %get3A_19 {offsets = [0, 4], sizes = [256, 1], strides = [1, 1]} : vector<256x32xi32> to vector<256x1xi32>
    %broadcast_in_dim3A_540 = vector.shape_cast %slice3A_539 : vector<256x1xi32> to vector<256x1xi32>
    %broadcast_in_dim3A_541 = vector.broadcast %broadcast_in_dim3A_540 : vector<256x1xi32> to vector<256x16xi32>
    %select_n3A_542 = arith.select %eq3A_534, %broadcast_in_dim3A_541, %select_n3A_530 : vector<256x16xi1>, vector<256x16xi32>
    %slice3A_543 = vector.extract_strided_slice %add3A_477 {offsets = [0, 5], sizes = [256, 1], strides = [1, 1]} : vector<256x32xi32> to vector<256x1xi32>
    %eq3A_544 = vector.broadcast %slice3A_543 : vector<256x1xi32> to vector<256x16xi32>
    %eq3A_545 = vector.broadcast %iota3A_478 : vector<1x16xi32> to vector<256x16xi32>
    %eq3A_546 = arith.cmpi eq, %eq3A_544, %eq3A_545 : vector<256x16xi32>
    %slice3A_547 = vector.extract_strided_slice %min3A_63 {offsets = [0, 5], sizes = [256, 1], strides = [1, 1]} : vector<256x32xf32> to vector<256x1xf32>
    %broadcast_in_dim3A_548 = vector.shape_cast %slice3A_547 : vector<256x1xf32> to vector<256x1xf32>
    %broadcast_in_dim3A_549 = vector.broadcast %broadcast_in_dim3A_548 : vector<256x1xf32> to vector<256x16xf32>
    %select_n3A_550 = arith.select %eq3A_546, %broadcast_in_dim3A_549, %select_n3A_538 : vector<256x16xi1>, vector<256x16xf32>
    %slice3A_551 = vector.extract_strided_slice %get3A_19 {offsets = [0, 5], sizes = [256, 1], strides = [1, 1]} : vector<256x32xi32> to vector<256x1xi32>
    %broadcast_in_dim3A_552 = vector.shape_cast %slice3A_551 : vector<256x1xi32> to vector<256x1xi32>
    %broadcast_in_dim3A_553 = vector.broadcast %broadcast_in_dim3A_552 : vector<256x1xi32> to vector<256x16xi32>
    %select_n3A_554 = arith.select %eq3A_546, %broadcast_in_dim3A_553, %select_n3A_542 : vector<256x16xi1>, vector<256x16xi32>
    %slice3A_555 = vector.extract_strided_slice %add3A_477 {offsets = [0, 6], sizes = [256, 1], strides = [1, 1]} : vector<256x32xi32> to vector<256x1xi32>
    %eq3A_556 = vector.broadcast %slice3A_555 : vector<256x1xi32> to vector<256x16xi32>
    %eq3A_557 = vector.broadcast %iota3A_478 : vector<1x16xi32> to vector<256x16xi32>
    %eq3A_558 = arith.cmpi eq, %eq3A_556, %eq3A_557 : vector<256x16xi32>
    %slice3A_559 = vector.extract_strided_slice %min3A_63 {offsets = [0, 6], sizes = [256, 1], strides = [1, 1]} : vector<256x32xf32> to vector<256x1xf32>
    %broadcast_in_dim3A_560 = vector.shape_cast %slice3A_559 : vector<256x1xf32> to vector<256x1xf32>
    %broadcast_in_dim3A_561 = vector.broadcast %broadcast_in_dim3A_560 : vector<256x1xf32> to vector<256x16xf32>
    %select_n3A_562 = arith.select %eq3A_558, %broadcast_in_dim3A_561, %select_n3A_550 : vector<256x16xi1>, vector<256x16xf32>
    %slice3A_563 = vector.extract_strided_slice %get3A_19 {offsets = [0, 6], sizes = [256, 1], strides = [1, 1]} : vector<256x32xi32> to vector<256x1xi32>
    %broadcast_in_dim3A_564 = vector.shape_cast %slice3A_563 : vector<256x1xi32> to vector<256x1xi32>
    %broadcast_in_dim3A_565 = vector.broadcast %broadcast_in_dim3A_564 : vector<256x1xi32> to vector<256x16xi32>
    %select_n3A_566 = arith.select %eq3A_558, %broadcast_in_dim3A_565, %select_n3A_554 : vector<256x16xi1>, vector<256x16xi32>
    %slice3A_567 = vector.extract_strided_slice %add3A_477 {offsets = [0, 7], sizes = [256, 1], strides = [1, 1]} : vector<256x32xi32> to vector<256x1xi32>
    %eq3A_568 = vector.broadcast %slice3A_567 : vector<256x1xi32> to vector<256x16xi32>
    %eq3A_569 = vector.broadcast %iota3A_478 : vector<1x16xi32> to vector<256x16xi32>
    %eq3A_570 = arith.cmpi eq, %eq3A_568, %eq3A_569 : vector<256x16xi32>
    %slice3A_571 = vector.extract_strided_slice %min3A_63 {offsets = [0, 7], sizes = [256, 1], strides = [1, 1]} : vector<256x32xf32> to vector<256x1xf32>
    %broadcast_in_dim3A_572 = vector.shape_cast %slice3A_571 : vector<256x1xf32> to vector<256x1xf32>
    %broadcast_in_dim3A_573 = vector.broadcast %broadcast_in_dim3A_572 : vector<256x1xf32> to vector<256x16xf32>
    %select_n3A_574 = arith.select %eq3A_570, %broadcast_in_dim3A_573, %select_n3A_562 : vector<256x16xi1>, vector<256x16xf32>
    %slice3A_575 = vector.extract_strided_slice %get3A_19 {offsets = [0, 7], sizes = [256, 1], strides = [1, 1]} : vector<256x32xi32> to vector<256x1xi32>
    %broadcast_in_dim3A_576 = vector.shape_cast %slice3A_575 : vector<256x1xi32> to vector<256x1xi32>
    %broadcast_in_dim3A_577 = vector.broadcast %broadcast_in_dim3A_576 : vector<256x1xi32> to vector<256x16xi32>
    %select_n3A_578 = arith.select %eq3A_570, %broadcast_in_dim3A_577, %select_n3A_566 : vector<256x16xi1>, vector<256x16xi32>
    %slice3A_579 = vector.extract_strided_slice %add3A_477 {offsets = [0, 8], sizes = [256, 1], strides = [1, 1]} : vector<256x32xi32> to vector<256x1xi32>
    %eq3A_580 = vector.broadcast %slice3A_579 : vector<256x1xi32> to vector<256x16xi32>
    %eq3A_581 = vector.broadcast %iota3A_478 : vector<1x16xi32> to vector<256x16xi32>
    %eq3A_582 = arith.cmpi eq, %eq3A_580, %eq3A_581 : vector<256x16xi32>
    %slice3A_583 = vector.extract_strided_slice %min3A_63 {offsets = [0, 8], sizes = [256, 1], strides = [1, 1]} : vector<256x32xf32> to vector<256x1xf32>
    %broadcast_in_dim3A_584 = vector.shape_cast %slice3A_583 : vector<256x1xf32> to vector<256x1xf32>
    %broadcast_in_dim3A_585 = vector.broadcast %broadcast_in_dim3A_584 : vector<256x1xf32> to vector<256x16xf32>
    %select_n3A_586 = arith.select %eq3A_582, %broadcast_in_dim3A_585, %select_n3A_574 : vector<256x16xi1>, vector<256x16xf32>
    %slice3A_587 = vector.extract_strided_slice %get3A_19 {offsets = [0, 8], sizes = [256, 1], strides = [1, 1]} : vector<256x32xi32> to vector<256x1xi32>
    %broadcast_in_dim3A_588 = vector.shape_cast %slice3A_587 : vector<256x1xi32> to vector<256x1xi32>
    %broadcast_in_dim3A_589 = vector.broadcast %broadcast_in_dim3A_588 : vector<256x1xi32> to vector<256x16xi32>
    %select_n3A_590 = arith.select %eq3A_582, %broadcast_in_dim3A_589, %select_n3A_578 : vector<256x16xi1>, vector<256x16xi32>
    %slice3A_591 = vector.extract_strided_slice %add3A_477 {offsets = [0, 9], sizes = [256, 1], strides = [1, 1]} : vector<256x32xi32> to vector<256x1xi32>
    %eq3A_592 = vector.broadcast %slice3A_591 : vector<256x1xi32> to vector<256x16xi32>
    %eq3A_593 = vector.broadcast %iota3A_478 : vector<1x16xi32> to vector<256x16xi32>
    %eq3A_594 = arith.cmpi eq, %eq3A_592, %eq3A_593 : vector<256x16xi32>
    %slice3A_595 = vector.extract_strided_slice %min3A_63 {offsets = [0, 9], sizes = [256, 1], strides = [1, 1]} : vector<256x32xf32> to vector<256x1xf32>
    %broadcast_in_dim3A_596 = vector.shape_cast %slice3A_595 : vector<256x1xf32> to vector<256x1xf32>
    %broadcast_in_dim3A_597 = vector.broadcast %broadcast_in_dim3A_596 : vector<256x1xf32> to vector<256x16xf32>
    %select_n3A_598 = arith.select %eq3A_594, %broadcast_in_dim3A_597, %select_n3A_586 : vector<256x16xi1>, vector<256x16xf32>
    %slice3A_599 = vector.extract_strided_slice %get3A_19 {offsets = [0, 9], sizes = [256, 1], strides = [1, 1]} : vector<256x32xi32> to vector<256x1xi32>
    %broadcast_in_dim3A_600 = vector.shape_cast %slice3A_599 : vector<256x1xi32> to vector<256x1xi32>
    %broadcast_in_dim3A_601 = vector.broadcast %broadcast_in_dim3A_600 : vector<256x1xi32> to vector<256x16xi32>
    %select_n3A_602 = arith.select %eq3A_594, %broadcast_in_dim3A_601, %select_n3A_590 : vector<256x16xi1>, vector<256x16xi32>
    %slice3A_603 = vector.extract_strided_slice %add3A_477 {offsets = [0, 10], sizes = [256, 1], strides = [1, 1]} : vector<256x32xi32> to vector<256x1xi32>
    %eq3A_604 = vector.broadcast %slice3A_603 : vector<256x1xi32> to vector<256x16xi32>
    %eq3A_605 = vector.broadcast %iota3A_478 : vector<1x16xi32> to vector<256x16xi32>
    %eq3A_606 = arith.cmpi eq, %eq3A_604, %eq3A_605 : vector<256x16xi32>
    %slice3A_607 = vector.extract_strided_slice %min3A_63 {offsets = [0, 10], sizes = [256, 1], strides = [1, 1]} : vector<256x32xf32> to vector<256x1xf32>
    %broadcast_in_dim3A_608 = vector.shape_cast %slice3A_607 : vector<256x1xf32> to vector<256x1xf32>
    %broadcast_in_dim3A_609 = vector.broadcast %broadcast_in_dim3A_608 : vector<256x1xf32> to vector<256x16xf32>
    %select_n3A_610 = arith.select %eq3A_606, %broadcast_in_dim3A_609, %select_n3A_598 : vector<256x16xi1>, vector<256x16xf32>
    %slice3A_611 = vector.extract_strided_slice %get3A_19 {offsets = [0, 10], sizes = [256, 1], strides = [1, 1]} : vector<256x32xi32> to vector<256x1xi32>
    %broadcast_in_dim3A_612 = vector.shape_cast %slice3A_611 : vector<256x1xi32> to vector<256x1xi32>
    %broadcast_in_dim3A_613 = vector.broadcast %broadcast_in_dim3A_612 : vector<256x1xi32> to vector<256x16xi32>
    %select_n3A_614 = arith.select %eq3A_606, %broadcast_in_dim3A_613, %select_n3A_602 : vector<256x16xi1>, vector<256x16xi32>
    %slice3A_615 = vector.extract_strided_slice %add3A_477 {offsets = [0, 11], sizes = [256, 1], strides = [1, 1]} : vector<256x32xi32> to vector<256x1xi32>
    %eq3A_616 = vector.broadcast %slice3A_615 : vector<256x1xi32> to vector<256x16xi32>
    %eq3A_617 = vector.broadcast %iota3A_478 : vector<1x16xi32> to vector<256x16xi32>
    %eq3A_618 = arith.cmpi eq, %eq3A_616, %eq3A_617 : vector<256x16xi32>
    %slice3A_619 = vector.extract_strided_slice %min3A_63 {offsets = [0, 11], sizes = [256, 1], strides = [1, 1]} : vector<256x32xf32> to vector<256x1xf32>
    %broadcast_in_dim3A_620 = vector.shape_cast %slice3A_619 : vector<256x1xf32> to vector<256x1xf32>
    %broadcast_in_dim3A_621 = vector.broadcast %broadcast_in_dim3A_620 : vector<256x1xf32> to vector<256x16xf32>
    %select_n3A_622 = arith.select %eq3A_618, %broadcast_in_dim3A_621, %select_n3A_610 : vector<256x16xi1>, vector<256x16xf32>
    %slice3A_623 = vector.extract_strided_slice %get3A_19 {offsets = [0, 11], sizes = [256, 1], strides = [1, 1]} : vector<256x32xi32> to vector<256x1xi32>
    %broadcast_in_dim3A_624 = vector.shape_cast %slice3A_623 : vector<256x1xi32> to vector<256x1xi32>
    %broadcast_in_dim3A_625 = vector.broadcast %broadcast_in_dim3A_624 : vector<256x1xi32> to vector<256x16xi32>
    %select_n3A_626 = arith.select %eq3A_618, %broadcast_in_dim3A_625, %select_n3A_614 : vector<256x16xi1>, vector<256x16xi32>
    %slice3A_627 = vector.extract_strided_slice %add3A_477 {offsets = [0, 12], sizes = [256, 1], strides = [1, 1]} : vector<256x32xi32> to vector<256x1xi32>
    %eq3A_628 = vector.broadcast %slice3A_627 : vector<256x1xi32> to vector<256x16xi32>
    %eq3A_629 = vector.broadcast %iota3A_478 : vector<1x16xi32> to vector<256x16xi32>
    %eq3A_630 = arith.cmpi eq, %eq3A_628, %eq3A_629 : vector<256x16xi32>
    %slice3A_631 = vector.extract_strided_slice %min3A_63 {offsets = [0, 12], sizes = [256, 1], strides = [1, 1]} : vector<256x32xf32> to vector<256x1xf32>
    %broadcast_in_dim3A_632 = vector.shape_cast %slice3A_631 : vector<256x1xf32> to vector<256x1xf32>
    %broadcast_in_dim3A_633 = vector.broadcast %broadcast_in_dim3A_632 : vector<256x1xf32> to vector<256x16xf32>
    %select_n3A_634 = arith.select %eq3A_630, %broadcast_in_dim3A_633, %select_n3A_622 : vector<256x16xi1>, vector<256x16xf32>
    %slice3A_635 = vector.extract_strided_slice %get3A_19 {offsets = [0, 12], sizes = [256, 1], strides = [1, 1]} : vector<256x32xi32> to vector<256x1xi32>
    %broadcast_in_dim3A_636 = vector.shape_cast %slice3A_635 : vector<256x1xi32> to vector<256x1xi32>
    %broadcast_in_dim3A_637 = vector.broadcast %broadcast_in_dim3A_636 : vector<256x1xi32> to vector<256x16xi32>
    %select_n3A_638 = arith.select %eq3A_630, %broadcast_in_dim3A_637, %select_n3A_626 : vector<256x16xi1>, vector<256x16xi32>
    %slice3A_639 = vector.extract_strided_slice %add3A_477 {offsets = [0, 13], sizes = [256, 1], strides = [1, 1]} : vector<256x32xi32> to vector<256x1xi32>
    %eq3A_640 = vector.broadcast %slice3A_639 : vector<256x1xi32> to vector<256x16xi32>
    %eq3A_641 = vector.broadcast %iota3A_478 : vector<1x16xi32> to vector<256x16xi32>
    %eq3A_642 = arith.cmpi eq, %eq3A_640, %eq3A_641 : vector<256x16xi32>
    %slice3A_643 = vector.extract_strided_slice %min3A_63 {offsets = [0, 13], sizes = [256, 1], strides = [1, 1]} : vector<256x32xf32> to vector<256x1xf32>
    %broadcast_in_dim3A_644 = vector.shape_cast %slice3A_643 : vector<256x1xf32> to vector<256x1xf32>
    %broadcast_in_dim3A_645 = vector.broadcast %broadcast_in_dim3A_644 : vector<256x1xf32> to vector<256x16xf32>
    %select_n3A_646 = arith.select %eq3A_642, %broadcast_in_dim3A_645, %select_n3A_634 : vector<256x16xi1>, vector<256x16xf32>
    %slice3A_647 = vector.extract_strided_slice %get3A_19 {offsets = [0, 13], sizes = [256, 1], strides = [1, 1]} : vector<256x32xi32> to vector<256x1xi32>
    %broadcast_in_dim3A_648 = vector.shape_cast %slice3A_647 : vector<256x1xi32> to vector<256x1xi32>
    %broadcast_in_dim3A_649 = vector.broadcast %broadcast_in_dim3A_648 : vector<256x1xi32> to vector<256x16xi32>
    %select_n3A_650 = arith.select %eq3A_642, %broadcast_in_dim3A_649, %select_n3A_638 : vector<256x16xi1>, vector<256x16xi32>
    %slice3A_651 = vector.extract_strided_slice %add3A_477 {offsets = [0, 14], sizes = [256, 1], strides = [1, 1]} : vector<256x32xi32> to vector<256x1xi32>
    %eq3A_652 = vector.broadcast %slice3A_651 : vector<256x1xi32> to vector<256x16xi32>
    %eq3A_653 = vector.broadcast %iota3A_478 : vector<1x16xi32> to vector<256x16xi32>
    %eq3A_654 = arith.cmpi eq, %eq3A_652, %eq3A_653 : vector<256x16xi32>
    %slice3A_655 = vector.extract_strided_slice %min3A_63 {offsets = [0, 14], sizes = [256, 1], strides = [1, 1]} : vector<256x32xf32> to vector<256x1xf32>
    %broadcast_in_dim3A_656 = vector.shape_cast %slice3A_655 : vector<256x1xf32> to vector<256x1xf32>
    %broadcast_in_dim3A_657 = vector.broadcast %broadcast_in_dim3A_656 : vector<256x1xf32> to vector<256x16xf32>
    %select_n3A_658 = arith.select %eq3A_654, %broadcast_in_dim3A_657, %select_n3A_646 : vector<256x16xi1>, vector<256x16xf32>
    %slice3A_659 = vector.extract_strided_slice %get3A_19 {offsets = [0, 14], sizes = [256, 1], strides = [1, 1]} : vector<256x32xi32> to vector<256x1xi32>
    %broadcast_in_dim3A_660 = vector.shape_cast %slice3A_659 : vector<256x1xi32> to vector<256x1xi32>
    %broadcast_in_dim3A_661 = vector.broadcast %broadcast_in_dim3A_660 : vector<256x1xi32> to vector<256x16xi32>
    %select_n3A_662 = arith.select %eq3A_654, %broadcast_in_dim3A_661, %select_n3A_650 : vector<256x16xi1>, vector<256x16xi32>
    %slice3A_663 = vector.extract_strided_slice %add3A_477 {offsets = [0, 15], sizes = [256, 1], strides = [1, 1]} : vector<256x32xi32> to vector<256x1xi32>
    %eq3A_664 = vector.broadcast %slice3A_663 : vector<256x1xi32> to vector<256x16xi32>
    %eq3A_665 = vector.broadcast %iota3A_478 : vector<1x16xi32> to vector<256x16xi32>
    %eq3A_666 = arith.cmpi eq, %eq3A_664, %eq3A_665 : vector<256x16xi32>
    %slice3A_667 = vector.extract_strided_slice %min3A_63 {offsets = [0, 15], sizes = [256, 1], strides = [1, 1]} : vector<256x32xf32> to vector<256x1xf32>
    %broadcast_in_dim3A_668 = vector.shape_cast %slice3A_667 : vector<256x1xf32> to vector<256x1xf32>
    %broadcast_in_dim3A_669 = vector.broadcast %broadcast_in_dim3A_668 : vector<256x1xf32> to vector<256x16xf32>
    %select_n3A_670 = arith.select %eq3A_666, %broadcast_in_dim3A_669, %select_n3A_658 : vector<256x16xi1>, vector<256x16xf32>
    %slice3A_671 = vector.extract_strided_slice %get3A_19 {offsets = [0, 15], sizes = [256, 1], strides = [1, 1]} : vector<256x32xi32> to vector<256x1xi32>
    %broadcast_in_dim3A_672 = vector.shape_cast %slice3A_671 : vector<256x1xi32> to vector<256x1xi32>
    %broadcast_in_dim3A_673 = vector.broadcast %broadcast_in_dim3A_672 : vector<256x1xi32> to vector<256x16xi32>
    %select_n3A_674 = arith.select %eq3A_666, %broadcast_in_dim3A_673, %select_n3A_662 : vector<256x16xi1>, vector<256x16xi32>
    %slice3A_675 = vector.extract_strided_slice %add3A_477 {offsets = [0, 16], sizes = [256, 1], strides = [1, 1]} : vector<256x32xi32> to vector<256x1xi32>
    %eq3A_676 = vector.broadcast %slice3A_675 : vector<256x1xi32> to vector<256x16xi32>
    %eq3A_677 = vector.broadcast %iota3A_478 : vector<1x16xi32> to vector<256x16xi32>
    %eq3A_678 = arith.cmpi eq, %eq3A_676, %eq3A_677 : vector<256x16xi32>
    %slice3A_679 = vector.extract_strided_slice %min3A_63 {offsets = [0, 16], sizes = [256, 1], strides = [1, 1]} : vector<256x32xf32> to vector<256x1xf32>
    %broadcast_in_dim3A_680 = vector.shape_cast %slice3A_679 : vector<256x1xf32> to vector<256x1xf32>
    %broadcast_in_dim3A_681 = vector.broadcast %broadcast_in_dim3A_680 : vector<256x1xf32> to vector<256x16xf32>
    %select_n3A_682 = arith.select %eq3A_678, %broadcast_in_dim3A_681, %select_n3A_670 : vector<256x16xi1>, vector<256x16xf32>
    %slice3A_683 = vector.extract_strided_slice %get3A_19 {offsets = [0, 16], sizes = [256, 1], strides = [1, 1]} : vector<256x32xi32> to vector<256x1xi32>
    %broadcast_in_dim3A_684 = vector.shape_cast %slice3A_683 : vector<256x1xi32> to vector<256x1xi32>
    %broadcast_in_dim3A_685 = vector.broadcast %broadcast_in_dim3A_684 : vector<256x1xi32> to vector<256x16xi32>
    %select_n3A_686 = arith.select %eq3A_678, %broadcast_in_dim3A_685, %select_n3A_674 : vector<256x16xi1>, vector<256x16xi32>
    %slice3A_687 = vector.extract_strided_slice %add3A_477 {offsets = [0, 17], sizes = [256, 1], strides = [1, 1]} : vector<256x32xi32> to vector<256x1xi32>
    %eq3A_688 = vector.broadcast %slice3A_687 : vector<256x1xi32> to vector<256x16xi32>
    %eq3A_689 = vector.broadcast %iota3A_478 : vector<1x16xi32> to vector<256x16xi32>
    %eq3A_690 = arith.cmpi eq, %eq3A_688, %eq3A_689 : vector<256x16xi32>
    %slice3A_691 = vector.extract_strided_slice %min3A_63 {offsets = [0, 17], sizes = [256, 1], strides = [1, 1]} : vector<256x32xf32> to vector<256x1xf32>
    %broadcast_in_dim3A_692 = vector.shape_cast %slice3A_691 : vector<256x1xf32> to vector<256x1xf32>
    %broadcast_in_dim3A_693 = vector.broadcast %broadcast_in_dim3A_692 : vector<256x1xf32> to vector<256x16xf32>
    %select_n3A_694 = arith.select %eq3A_690, %broadcast_in_dim3A_693, %select_n3A_682 : vector<256x16xi1>, vector<256x16xf32>
    %slice3A_695 = vector.extract_strided_slice %get3A_19 {offsets = [0, 17], sizes = [256, 1], strides = [1, 1]} : vector<256x32xi32> to vector<256x1xi32>
    %broadcast_in_dim3A_696 = vector.shape_cast %slice3A_695 : vector<256x1xi32> to vector<256x1xi32>
    %broadcast_in_dim3A_697 = vector.broadcast %broadcast_in_dim3A_696 : vector<256x1xi32> to vector<256x16xi32>
    %select_n3A_698 = arith.select %eq3A_690, %broadcast_in_dim3A_697, %select_n3A_686 : vector<256x16xi1>, vector<256x16xi32>
    %slice3A_699 = vector.extract_strided_slice %add3A_477 {offsets = [0, 18], sizes = [256, 1], strides = [1, 1]} : vector<256x32xi32> to vector<256x1xi32>
    %eq3A_700 = vector.broadcast %slice3A_699 : vector<256x1xi32> to vector<256x16xi32>
    %eq3A_701 = vector.broadcast %iota3A_478 : vector<1x16xi32> to vector<256x16xi32>
    %eq3A_702 = arith.cmpi eq, %eq3A_700, %eq3A_701 : vector<256x16xi32>
    %slice3A_703 = vector.extract_strided_slice %min3A_63 {offsets = [0, 18], sizes = [256, 1], strides = [1, 1]} : vector<256x32xf32> to vector<256x1xf32>
    %broadcast_in_dim3A_704 = vector.shape_cast %slice3A_703 : vector<256x1xf32> to vector<256x1xf32>
    %broadcast_in_dim3A_705 = vector.broadcast %broadcast_in_dim3A_704 : vector<256x1xf32> to vector<256x16xf32>
    %select_n3A_706 = arith.select %eq3A_702, %broadcast_in_dim3A_705, %select_n3A_694 : vector<256x16xi1>, vector<256x16xf32>
    %slice3A_707 = vector.extract_strided_slice %get3A_19 {offsets = [0, 18], sizes = [256, 1], strides = [1, 1]} : vector<256x32xi32> to vector<256x1xi32>
    %broadcast_in_dim3A_708 = vector.shape_cast %slice3A_707 : vector<256x1xi32> to vector<256x1xi32>
    %broadcast_in_dim3A_709 = vector.broadcast %broadcast_in_dim3A_708 : vector<256x1xi32> to vector<256x16xi32>
    %select_n3A_710 = arith.select %eq3A_702, %broadcast_in_dim3A_709, %select_n3A_698 : vector<256x16xi1>, vector<256x16xi32>
    %slice3A_711 = vector.extract_strided_slice %add3A_477 {offsets = [0, 19], sizes = [256, 1], strides = [1, 1]} : vector<256x32xi32> to vector<256x1xi32>
    %eq3A_712 = vector.broadcast %slice3A_711 : vector<256x1xi32> to vector<256x16xi32>
    %eq3A_713 = vector.broadcast %iota3A_478 : vector<1x16xi32> to vector<256x16xi32>
    %eq3A_714 = arith.cmpi eq, %eq3A_712, %eq3A_713 : vector<256x16xi32>
    %slice3A_715 = vector.extract_strided_slice %min3A_63 {offsets = [0, 19], sizes = [256, 1], strides = [1, 1]} : vector<256x32xf32> to vector<256x1xf32>
    %broadcast_in_dim3A_716 = vector.shape_cast %slice3A_715 : vector<256x1xf32> to vector<256x1xf32>
    %broadcast_in_dim3A_717 = vector.broadcast %broadcast_in_dim3A_716 : vector<256x1xf32> to vector<256x16xf32>
    %select_n3A_718 = arith.select %eq3A_714, %broadcast_in_dim3A_717, %select_n3A_706 : vector<256x16xi1>, vector<256x16xf32>
    %slice3A_719 = vector.extract_strided_slice %get3A_19 {offsets = [0, 19], sizes = [256, 1], strides = [1, 1]} : vector<256x32xi32> to vector<256x1xi32>
    %broadcast_in_dim3A_720 = vector.shape_cast %slice3A_719 : vector<256x1xi32> to vector<256x1xi32>
    %broadcast_in_dim3A_721 = vector.broadcast %broadcast_in_dim3A_720 : vector<256x1xi32> to vector<256x16xi32>
    %select_n3A_722 = arith.select %eq3A_714, %broadcast_in_dim3A_721, %select_n3A_710 : vector<256x16xi1>, vector<256x16xi32>
    %slice3A_723 = vector.extract_strided_slice %add3A_477 {offsets = [0, 20], sizes = [256, 1], strides = [1, 1]} : vector<256x32xi32> to vector<256x1xi32>
    %eq3A_724 = vector.broadcast %slice3A_723 : vector<256x1xi32> to vector<256x16xi32>
    %eq3A_725 = vector.broadcast %iota3A_478 : vector<1x16xi32> to vector<256x16xi32>
    %eq3A_726 = arith.cmpi eq, %eq3A_724, %eq3A_725 : vector<256x16xi32>
    %slice3A_727 = vector.extract_strided_slice %min3A_63 {offsets = [0, 20], sizes = [256, 1], strides = [1, 1]} : vector<256x32xf32> to vector<256x1xf32>
    %broadcast_in_dim3A_728 = vector.shape_cast %slice3A_727 : vector<256x1xf32> to vector<256x1xf32>
    %broadcast_in_dim3A_729 = vector.broadcast %broadcast_in_dim3A_728 : vector<256x1xf32> to vector<256x16xf32>
    %select_n3A_730 = arith.select %eq3A_726, %broadcast_in_dim3A_729, %select_n3A_718 : vector<256x16xi1>, vector<256x16xf32>
    %slice3A_731 = vector.extract_strided_slice %get3A_19 {offsets = [0, 20], sizes = [256, 1], strides = [1, 1]} : vector<256x32xi32> to vector<256x1xi32>
    %broadcast_in_dim3A_732 = vector.shape_cast %slice3A_731 : vector<256x1xi32> to vector<256x1xi32>
    %broadcast_in_dim3A_733 = vector.broadcast %broadcast_in_dim3A_732 : vector<256x1xi32> to vector<256x16xi32>
    %select_n3A_734 = arith.select %eq3A_726, %broadcast_in_dim3A_733, %select_n3A_722 : vector<256x16xi1>, vector<256x16xi32>
    %slice3A_735 = vector.extract_strided_slice %add3A_477 {offsets = [0, 21], sizes = [256, 1], strides = [1, 1]} : vector<256x32xi32> to vector<256x1xi32>
    %eq3A_736 = vector.broadcast %slice3A_735 : vector<256x1xi32> to vector<256x16xi32>
    %eq3A_737 = vector.broadcast %iota3A_478 : vector<1x16xi32> to vector<256x16xi32>
    %eq3A_738 = arith.cmpi eq, %eq3A_736, %eq3A_737 : vector<256x16xi32>
    %slice3A_739 = vector.extract_strided_slice %min3A_63 {offsets = [0, 21], sizes = [256, 1], strides = [1, 1]} : vector<256x32xf32> to vector<256x1xf32>
    %broadcast_in_dim3A_740 = vector.shape_cast %slice3A_739 : vector<256x1xf32> to vector<256x1xf32>
    %broadcast_in_dim3A_741 = vector.broadcast %broadcast_in_dim3A_740 : vector<256x1xf32> to vector<256x16xf32>
    %select_n3A_742 = arith.select %eq3A_738, %broadcast_in_dim3A_741, %select_n3A_730 : vector<256x16xi1>, vector<256x16xf32>
    %slice3A_743 = vector.extract_strided_slice %get3A_19 {offsets = [0, 21], sizes = [256, 1], strides = [1, 1]} : vector<256x32xi32> to vector<256x1xi32>
    %broadcast_in_dim3A_744 = vector.shape_cast %slice3A_743 : vector<256x1xi32> to vector<256x1xi32>
    %broadcast_in_dim3A_745 = vector.broadcast %broadcast_in_dim3A_744 : vector<256x1xi32> to vector<256x16xi32>
    %select_n3A_746 = arith.select %eq3A_738, %broadcast_in_dim3A_745, %select_n3A_734 : vector<256x16xi1>, vector<256x16xi32>
    %slice3A_747 = vector.extract_strided_slice %add3A_477 {offsets = [0, 22], sizes = [256, 1], strides = [1, 1]} : vector<256x32xi32> to vector<256x1xi32>
    %eq3A_748 = vector.broadcast %slice3A_747 : vector<256x1xi32> to vector<256x16xi32>
    %eq3A_749 = vector.broadcast %iota3A_478 : vector<1x16xi32> to vector<256x16xi32>
    %eq3A_750 = arith.cmpi eq, %eq3A_748, %eq3A_749 : vector<256x16xi32>
    %slice3A_751 = vector.extract_strided_slice %min3A_63 {offsets = [0, 22], sizes = [256, 1], strides = [1, 1]} : vector<256x32xf32> to vector<256x1xf32>
    %broadcast_in_dim3A_752 = vector.shape_cast %slice3A_751 : vector<256x1xf32> to vector<256x1xf32>
    %broadcast_in_dim3A_753 = vector.broadcast %broadcast_in_dim3A_752 : vector<256x1xf32> to vector<256x16xf32>
    %select_n3A_754 = arith.select %eq3A_750, %broadcast_in_dim3A_753, %select_n3A_742 : vector<256x16xi1>, vector<256x16xf32>
    %slice3A_755 = vector.extract_strided_slice %get3A_19 {offsets = [0, 22], sizes = [256, 1], strides = [1, 1]} : vector<256x32xi32> to vector<256x1xi32>
    %broadcast_in_dim3A_756 = vector.shape_cast %slice3A_755 : vector<256x1xi32> to vector<256x1xi32>
    %broadcast_in_dim3A_757 = vector.broadcast %broadcast_in_dim3A_756 : vector<256x1xi32> to vector<256x16xi32>
    %select_n3A_758 = arith.select %eq3A_750, %broadcast_in_dim3A_757, %select_n3A_746 : vector<256x16xi1>, vector<256x16xi32>
    %slice3A_759 = vector.extract_strided_slice %add3A_477 {offsets = [0, 23], sizes = [256, 1], strides = [1, 1]} : vector<256x32xi32> to vector<256x1xi32>
    %eq3A_760 = vector.broadcast %slice3A_759 : vector<256x1xi32> to vector<256x16xi32>
    %eq3A_761 = vector.broadcast %iota3A_478 : vector<1x16xi32> to vector<256x16xi32>
    %eq3A_762 = arith.cmpi eq, %eq3A_760, %eq3A_761 : vector<256x16xi32>
    %slice3A_763 = vector.extract_strided_slice %min3A_63 {offsets = [0, 23], sizes = [256, 1], strides = [1, 1]} : vector<256x32xf32> to vector<256x1xf32>
    %broadcast_in_dim3A_764 = vector.shape_cast %slice3A_763 : vector<256x1xf32> to vector<256x1xf32>
    %broadcast_in_dim3A_765 = vector.broadcast %broadcast_in_dim3A_764 : vector<256x1xf32> to vector<256x16xf32>
    %select_n3A_766 = arith.select %eq3A_762, %broadcast_in_dim3A_765, %select_n3A_754 : vector<256x16xi1>, vector<256x16xf32>
    %slice3A_767 = vector.extract_strided_slice %get3A_19 {offsets = [0, 23], sizes = [256, 1], strides = [1, 1]} : vector<256x32xi32> to vector<256x1xi32>
    %broadcast_in_dim3A_768 = vector.shape_cast %slice3A_767 : vector<256x1xi32> to vector<256x1xi32>
    %broadcast_in_dim3A_769 = vector.broadcast %broadcast_in_dim3A_768 : vector<256x1xi32> to vector<256x16xi32>
    %select_n3A_770 = arith.select %eq3A_762, %broadcast_in_dim3A_769, %select_n3A_758 : vector<256x16xi1>, vector<256x16xi32>
    %slice3A_771 = vector.extract_strided_slice %add3A_477 {offsets = [0, 24], sizes = [256, 1], strides = [1, 1]} : vector<256x32xi32> to vector<256x1xi32>
    %eq3A_772 = vector.broadcast %slice3A_771 : vector<256x1xi32> to vector<256x16xi32>
    %eq3A_773 = vector.broadcast %iota3A_478 : vector<1x16xi32> to vector<256x16xi32>
    %eq3A_774 = arith.cmpi eq, %eq3A_772, %eq3A_773 : vector<256x16xi32>
    %slice3A_775 = vector.extract_strided_slice %min3A_63 {offsets = [0, 24], sizes = [256, 1], strides = [1, 1]} : vector<256x32xf32> to vector<256x1xf32>
    %broadcast_in_dim3A_776 = vector.shape_cast %slice3A_775 : vector<256x1xf32> to vector<256x1xf32>
    %broadcast_in_dim3A_777 = vector.broadcast %broadcast_in_dim3A_776 : vector<256x1xf32> to vector<256x16xf32>
    %select_n3A_778 = arith.select %eq3A_774, %broadcast_in_dim3A_777, %select_n3A_766 : vector<256x16xi1>, vector<256x16xf32>
    %slice3A_779 = vector.extract_strided_slice %get3A_19 {offsets = [0, 24], sizes = [256, 1], strides = [1, 1]} : vector<256x32xi32> to vector<256x1xi32>
    %broadcast_in_dim3A_780 = vector.shape_cast %slice3A_779 : vector<256x1xi32> to vector<256x1xi32>
    %broadcast_in_dim3A_781 = vector.broadcast %broadcast_in_dim3A_780 : vector<256x1xi32> to vector<256x16xi32>
    %select_n3A_782 = arith.select %eq3A_774, %broadcast_in_dim3A_781, %select_n3A_770 : vector<256x16xi1>, vector<256x16xi32>
    %slice3A_783 = vector.extract_strided_slice %add3A_477 {offsets = [0, 25], sizes = [256, 1], strides = [1, 1]} : vector<256x32xi32> to vector<256x1xi32>
    %eq3A_784 = vector.broadcast %slice3A_783 : vector<256x1xi32> to vector<256x16xi32>
    %eq3A_785 = vector.broadcast %iota3A_478 : vector<1x16xi32> to vector<256x16xi32>
    %eq3A_786 = arith.cmpi eq, %eq3A_784, %eq3A_785 : vector<256x16xi32>
    %slice3A_787 = vector.extract_strided_slice %min3A_63 {offsets = [0, 25], sizes = [256, 1], strides = [1, 1]} : vector<256x32xf32> to vector<256x1xf32>
    %broadcast_in_dim3A_788 = vector.shape_cast %slice3A_787 : vector<256x1xf32> to vector<256x1xf32>
    %broadcast_in_dim3A_789 = vector.broadcast %broadcast_in_dim3A_788 : vector<256x1xf32> to vector<256x16xf32>
    %select_n3A_790 = arith.select %eq3A_786, %broadcast_in_dim3A_789, %select_n3A_778 : vector<256x16xi1>, vector<256x16xf32>
    %slice3A_791 = vector.extract_strided_slice %get3A_19 {offsets = [0, 25], sizes = [256, 1], strides = [1, 1]} : vector<256x32xi32> to vector<256x1xi32>
    %broadcast_in_dim3A_792 = vector.shape_cast %slice3A_791 : vector<256x1xi32> to vector<256x1xi32>
    %broadcast_in_dim3A_793 = vector.broadcast %broadcast_in_dim3A_792 : vector<256x1xi32> to vector<256x16xi32>
    %select_n3A_794 = arith.select %eq3A_786, %broadcast_in_dim3A_793, %select_n3A_782 : vector<256x16xi1>, vector<256x16xi32>
    %slice3A_795 = vector.extract_strided_slice %add3A_477 {offsets = [0, 26], sizes = [256, 1], strides = [1, 1]} : vector<256x32xi32> to vector<256x1xi32>
    %eq3A_796 = vector.broadcast %slice3A_795 : vector<256x1xi32> to vector<256x16xi32>
    %eq3A_797 = vector.broadcast %iota3A_478 : vector<1x16xi32> to vector<256x16xi32>
    %eq3A_798 = arith.cmpi eq, %eq3A_796, %eq3A_797 : vector<256x16xi32>
    %slice3A_799 = vector.extract_strided_slice %min3A_63 {offsets = [0, 26], sizes = [256, 1], strides = [1, 1]} : vector<256x32xf32> to vector<256x1xf32>
    %broadcast_in_dim3A_800 = vector.shape_cast %slice3A_799 : vector<256x1xf32> to vector<256x1xf32>
    %broadcast_in_dim3A_801 = vector.broadcast %broadcast_in_dim3A_800 : vector<256x1xf32> to vector<256x16xf32>
    %select_n3A_802 = arith.select %eq3A_798, %broadcast_in_dim3A_801, %select_n3A_790 : vector<256x16xi1>, vector<256x16xf32>
    %slice3A_803 = vector.extract_strided_slice %get3A_19 {offsets = [0, 26], sizes = [256, 1], strides = [1, 1]} : vector<256x32xi32> to vector<256x1xi32>
    %broadcast_in_dim3A_804 = vector.shape_cast %slice3A_803 : vector<256x1xi32> to vector<256x1xi32>
    %broadcast_in_dim3A_805 = vector.broadcast %broadcast_in_dim3A_804 : vector<256x1xi32> to vector<256x16xi32>
    %select_n3A_806 = arith.select %eq3A_798, %broadcast_in_dim3A_805, %select_n3A_794 : vector<256x16xi1>, vector<256x16xi32>
    %slice3A_807 = vector.extract_strided_slice %add3A_477 {offsets = [0, 27], sizes = [256, 1], strides = [1, 1]} : vector<256x32xi32> to vector<256x1xi32>
    %eq3A_808 = vector.broadcast %slice3A_807 : vector<256x1xi32> to vector<256x16xi32>
    %eq3A_809 = vector.broadcast %iota3A_478 : vector<1x16xi32> to vector<256x16xi32>
    %eq3A_810 = arith.cmpi eq, %eq3A_808, %eq3A_809 : vector<256x16xi32>
    %slice3A_811 = vector.extract_strided_slice %min3A_63 {offsets = [0, 27], sizes = [256, 1], strides = [1, 1]} : vector<256x32xf32> to vector<256x1xf32>
    %broadcast_in_dim3A_812 = vector.shape_cast %slice3A_811 : vector<256x1xf32> to vector<256x1xf32>
    %broadcast_in_dim3A_813 = vector.broadcast %broadcast_in_dim3A_812 : vector<256x1xf32> to vector<256x16xf32>
    %select_n3A_814 = arith.select %eq3A_810, %broadcast_in_dim3A_813, %select_n3A_802 : vector<256x16xi1>, vector<256x16xf32>
    %slice3A_815 = vector.extract_strided_slice %get3A_19 {offsets = [0, 27], sizes = [256, 1], strides = [1, 1]} : vector<256x32xi32> to vector<256x1xi32>
    %broadcast_in_dim3A_816 = vector.shape_cast %slice3A_815 : vector<256x1xi32> to vector<256x1xi32>
    %broadcast_in_dim3A_817 = vector.broadcast %broadcast_in_dim3A_816 : vector<256x1xi32> to vector<256x16xi32>
    %select_n3A_818 = arith.select %eq3A_810, %broadcast_in_dim3A_817, %select_n3A_806 : vector<256x16xi1>, vector<256x16xi32>
    %slice3A_819 = vector.extract_strided_slice %add3A_477 {offsets = [0, 28], sizes = [256, 1], strides = [1, 1]} : vector<256x32xi32> to vector<256x1xi32>
    %eq3A_820 = vector.broadcast %slice3A_819 : vector<256x1xi32> to vector<256x16xi32>
    %eq3A_821 = vector.broadcast %iota3A_478 : vector<1x16xi32> to vector<256x16xi32>
    %eq3A_822 = arith.cmpi eq, %eq3A_820, %eq3A_821 : vector<256x16xi32>
    %slice3A_823 = vector.extract_strided_slice %min3A_63 {offsets = [0, 28], sizes = [256, 1], strides = [1, 1]} : vector<256x32xf32> to vector<256x1xf32>
    %broadcast_in_dim3A_824 = vector.shape_cast %slice3A_823 : vector<256x1xf32> to vector<256x1xf32>
    %broadcast_in_dim3A_825 = vector.broadcast %broadcast_in_dim3A_824 : vector<256x1xf32> to vector<256x16xf32>
    %select_n3A_826 = arith.select %eq3A_822, %broadcast_in_dim3A_825, %select_n3A_814 : vector<256x16xi1>, vector<256x16xf32>
    %slice3A_827 = vector.extract_strided_slice %get3A_19 {offsets = [0, 28], sizes = [256, 1], strides = [1, 1]} : vector<256x32xi32> to vector<256x1xi32>
    %broadcast_in_dim3A_828 = vector.shape_cast %slice3A_827 : vector<256x1xi32> to vector<256x1xi32>
    %broadcast_in_dim3A_829 = vector.broadcast %broadcast_in_dim3A_828 : vector<256x1xi32> to vector<256x16xi32>
    %select_n3A_830 = arith.select %eq3A_822, %broadcast_in_dim3A_829, %select_n3A_818 : vector<256x16xi1>, vector<256x16xi32>
    %slice3A_831 = vector.extract_strided_slice %add3A_477 {offsets = [0, 29], sizes = [256, 1], strides = [1, 1]} : vector<256x32xi32> to vector<256x1xi32>
    %eq3A_832 = vector.broadcast %slice3A_831 : vector<256x1xi32> to vector<256x16xi32>
    %eq3A_833 = vector.broadcast %iota3A_478 : vector<1x16xi32> to vector<256x16xi32>
    %eq3A_834 = arith.cmpi eq, %eq3A_832, %eq3A_833 : vector<256x16xi32>
    %slice3A_835 = vector.extract_strided_slice %min3A_63 {offsets = [0, 29], sizes = [256, 1], strides = [1, 1]} : vector<256x32xf32> to vector<256x1xf32>
    %broadcast_in_dim3A_836 = vector.shape_cast %slice3A_835 : vector<256x1xf32> to vector<256x1xf32>
    %broadcast_in_dim3A_837 = vector.broadcast %broadcast_in_dim3A_836 : vector<256x1xf32> to vector<256x16xf32>
    %select_n3A_838 = arith.select %eq3A_834, %broadcast_in_dim3A_837, %select_n3A_826 : vector<256x16xi1>, vector<256x16xf32>
    %slice3A_839 = vector.extract_strided_slice %get3A_19 {offsets = [0, 29], sizes = [256, 1], strides = [1, 1]} : vector<256x32xi32> to vector<256x1xi32>
    %broadcast_in_dim3A_840 = vector.shape_cast %slice3A_839 : vector<256x1xi32> to vector<256x1xi32>
    %broadcast_in_dim3A_841 = vector.broadcast %broadcast_in_dim3A_840 : vector<256x1xi32> to vector<256x16xi32>
    %select_n3A_842 = arith.select %eq3A_834, %broadcast_in_dim3A_841, %select_n3A_830 : vector<256x16xi1>, vector<256x16xi32>
    %slice3A_843 = vector.extract_strided_slice %add3A_477 {offsets = [0, 30], sizes = [256, 1], strides = [1, 1]} : vector<256x32xi32> to vector<256x1xi32>
    %eq3A_844 = vector.broadcast %slice3A_843 : vector<256x1xi32> to vector<256x16xi32>
    %eq3A_845 = vector.broadcast %iota3A_478 : vector<1x16xi32> to vector<256x16xi32>
    %eq3A_846 = arith.cmpi eq, %eq3A_844, %eq3A_845 : vector<256x16xi32>
    %slice3A_847 = vector.extract_strided_slice %min3A_63 {offsets = [0, 30], sizes = [256, 1], strides = [1, 1]} : vector<256x32xf32> to vector<256x1xf32>
    %broadcast_in_dim3A_848 = vector.shape_cast %slice3A_847 : vector<256x1xf32> to vector<256x1xf32>
    %broadcast_in_dim3A_849 = vector.broadcast %broadcast_in_dim3A_848 : vector<256x1xf32> to vector<256x16xf32>
    %select_n3A_850 = arith.select %eq3A_846, %broadcast_in_dim3A_849, %select_n3A_838 : vector<256x16xi1>, vector<256x16xf32>
    %slice3A_851 = vector.extract_strided_slice %get3A_19 {offsets = [0, 30], sizes = [256, 1], strides = [1, 1]} : vector<256x32xi32> to vector<256x1xi32>
    %broadcast_in_dim3A_852 = vector.shape_cast %slice3A_851 : vector<256x1xi32> to vector<256x1xi32>
    %broadcast_in_dim3A_853 = vector.broadcast %broadcast_in_dim3A_852 : vector<256x1xi32> to vector<256x16xi32>
    %select_n3A_854 = arith.select %eq3A_846, %broadcast_in_dim3A_853, %select_n3A_842 : vector<256x16xi1>, vector<256x16xi32>
    %slice3A_855 = vector.extract_strided_slice %add3A_477 {offsets = [0, 31], sizes = [256, 1], strides = [1, 1]} : vector<256x32xi32> to vector<256x1xi32>
    %eq3A_856 = vector.broadcast %slice3A_855 : vector<256x1xi32> to vector<256x16xi32>
    %eq3A_857 = vector.broadcast %iota3A_478 : vector<1x16xi32> to vector<256x16xi32>
    %eq3A_858 = arith.cmpi eq, %eq3A_856, %eq3A_857 : vector<256x16xi32>
    %slice3A_859 = vector.extract_strided_slice %min3A_63 {offsets = [0, 31], sizes = [256, 1], strides = [1, 1]} : vector<256x32xf32> to vector<256x1xf32>
    %broadcast_in_dim3A_860 = vector.shape_cast %slice3A_859 : vector<256x1xf32> to vector<256x1xf32>
    %broadcast_in_dim3A_861 = vector.broadcast %broadcast_in_dim3A_860 : vector<256x1xf32> to vector<256x16xf32>
    %select_n3A_862 = arith.select %eq3A_858, %broadcast_in_dim3A_861, %select_n3A_850 : vector<256x16xi1>, vector<256x16xf32>
    %slice3A_863 = vector.extract_strided_slice %get3A_19 {offsets = [0, 31], sizes = [256, 1], strides = [1, 1]} : vector<256x32xi32> to vector<256x1xi32>
    %broadcast_in_dim3A_864 = vector.shape_cast %slice3A_863 : vector<256x1xi32> to vector<256x1xi32>
    %broadcast_in_dim3A_865 = vector.broadcast %broadcast_in_dim3A_864 : vector<256x1xi32> to vector<256x16xi32>
    %select_n3A_866 = arith.select %eq3A_858, %broadcast_in_dim3A_865, %select_n3A_854 : vector<256x16xi1>, vector<256x16xi32>
    %swap3A = arith.constant 0 : index
    %swap3A_867 = arith.constant 0 : index
    %swap3A_868 = vector.load %arg8[%swap3A, %swap3A_867] : memref<256x16xf32, #tpu.memory_space<vmem>>, vector<256x16xf32>
    tpu.vector_store %arg8[%swap3A, %swap3A_867], %select_n3A_862 {strides = array<i32>} : memref<256x16xf32, #tpu.memory_space<vmem>>, vector<256x16xf32>,
    %swap3A_869 = arith.constant 0 : index
    %swap3A_870 = arith.constant 0 : index
    %swap3A_871 = vector.load %arg9[%swap3A_869, %swap3A_870] : memref<256x16xi32, #tpu.memory_space<vmem>>, vector<256x16xi32>
    tpu.vector_store %arg9[%swap3A_869, %swap3A_870], %select_n3A_866 {strides = array<i32>} : memref<256x16xi32, #tpu.memory_space<vmem>>, vector<256x16xi32>,
    return
  }
  func.func @transform_0(%arg0: i32) -> (i32, i32) {
    %c0_i32 = arith.constant 0 : i32
    %c0_i32_0 = arith.constant 0 : i32
    return %arg0, %c0_i32 : i32, i32
  }
  func.func @transform_1(%arg0: i32) -> (i32, i32) {
    %c0_i32 = arith.constant 0 : i32
    %c0_i32_0 = arith.constant 0 : i32
    return %arg0, %c0_i32 : i32, i32
  }
  func.func @transform_2(%arg0: i32) -> (i32, i32) {
    %c0_i32 = arith.constant 0 : i32
    %c0_i32_0 = arith.constant 0 : i32
    return %arg0, %c0_i32 : i32, i32
  }
  func.func @transform_3(%arg0: i32) -> (i32, i32) {
    %c0_i32 = arith.constant 0 : i32
    %c0_i32_0 = arith.constant 0 : i32
    return %arg0, %c0_i32 : i32, i32
  }
  func.func @transform_4(%arg0: i32) -> (i32, i32) {
    %c0_i32 = arith.constant 0 : i32
    %c0_i32_0 = arith.constant 0 : i32
    return %arg0, %c0_i32 : i32, i32
  }
  func.func @transform_5(%arg0: i32) -> (i32, i32) {
    %c0_i32 = arith.constant 0 : i32
    %c0_i32_0 = arith.constant 0 : i32
    return %arg0, %c0_i32 : i32, i32
  }
  func.func @transform_6(%arg0: i32) -> (i32, i32) {
    %c0_i32 = arith.constant 0 : i32
    %c0_i32_0 = arith.constant 0 : i32
    return %arg0, %c0_i32 : i32, i32
  }
  func.func @transform_7(%arg0: i32) -> (i32, i32) {
    %c0_i32 = arith.constant 0 : i32
    %c0_i32_0 = arith.constant 0 : i32
    return %arg0, %c0_i32 : i32, i32
  }
  func.func @transform_8(%arg0: i32) -> (i32, i32) {
    %c0_i32 = arith.constant 0 : i32
    %c0_i32_0 = arith.constant 0 : i32
    return %arg0, %c0_i32 : i32, i32
  }
}

</mosaic_0001>

<sc_bundles>
// kernel: gather_offload_async_start.1
scs
__scs_entry_jumppad:
0x0: {  	(pc) =	sbr.rel $0x88, $3  }
0x1: {  	(tag) =	ssettag $0x0;
	lr =	simm.s32 $0x1  }
0x2: {  	[smem:$0x3F99] =	sst lr;
	_ =	strace $0xD0000000  }
0x3: {  	_ = 	snop  }
0x4: {  	_ = 	snop  }
0x5: {  	_ = 	snop  }
0x6: {  	_ = 	snop  }
0x7: {  	_ = 	snop  }
__scs_overlays_trampoline_lowered:
0x8: {  	[smem:$0x3FA8] =	sst s0  }
0x9: {  	[smem:$0x3FA9] =	sst s1  }
0xa: {  	[smem:$0x3FAA] =	sst s2  }
0xb: {  	[smem:$0x3FAB] =	sst s3  }
0xc: {  	[smem:$0x3FAC] =	sst s4  }
0xd: {  	[smem:$0x3FAD] =	sst s5  }
0xe: {  	[smem:$0x3FAE] =	sst s6  }
0xf: {  	[smem:$0x3FAF] =	sst s7  }
0x10: {  	[smem:$0x3FB0] =	sst s8  }
0x11: {  	[smem:$0x3FB1] =	sst s9;
	s0 =	simm.s32 @!p0 $0x0  }
0x12: {  	s1 =	sld [smem:$0x3F97];
	s0 =	simm.s32 @p0 $0x1  }
0x13: {  	[smem:$0x3FB2] =	sst s0;
	s0 =	simm.s32 @!p1 $0x0  }
0x14: {  	s2 =	sld [smem:$0x3F96];
	s0 =	simm.s32 @p1 $0x1  }
0x15: {  	[smem:$0x3FB3] =	sst s0;
	s0 =	simm.s32 @!p2 $0x0  }
0x16: {  	s3 =	sld [smem:$0x3FDB];
	s0 =	simm.s32 @p2 $0x1  }
0x17: {  	s4 =	simm.s32 $0x1BF5;
	[smem:$0x3FB5] =	sst s0  }
0x18: {  	s0 =	sld [smem:$0x3F98];
	_ =	swait.ge [sflag:s4], $0x0  }
0x19: {  	s7 =	sld [smem:$0x3F99]  }
0x1a: {  	s8 =	sadd.s32 $0xFFFFE003, lr  }
0x1b: {  	s9 =	sadd.s32 $0xFFFFFEF7, lr;
	s5 =	simm.s32 $0xFFFFFFFF;
	p2 =	slt.u32 s8, $0xFFFFF086  }
0x1c: {  	p1 =	slt.u32 s9, $0xF7A;
	s5 =	simm.s32 @!p2 $0x0  }
0x1d: {  	s5 =	simm.s32 @p1 $0x1;
	p0 =	seq.s32 s7, s2  }
0x1e: {  	s7 =	smul.u32 @!p0 $0xF7A, s2;
	p2 =	seq.s32 @!p0 s5, $0x0  }
0x1f: {  	s9 =	smul.u32 $0xF7A, s1;
	s8 =	simm.s32 @!p0 $0x1BF5;
	p2 =	por !p2, p0  }
0x20: {  	[sflag:s8] =	ssyncset.s32 @!p0 $0xFFFFF086;
	s6 =	sadd.s32 @!p0 s3, s7;
	s7 =	simm.s32 @!p0 $0x108  }
0x21: {  	s3 =	sadd.s32 s3, s9;
	s6 =	sadd.s32 @!p0 $0x88, s6;
	s7 =	simm.s32 @p2 $0x1082  }
0x22: {  	[simem:s7], [sflag:s8] =	dma.local @!p0 [hbm:s6], $0xF7A  }
0x23: {  	s9 =	sor.u32 $0xD0000000, s2;
	s6 =	simm.s32 $0x108;
	_ =	swait.ge @!p0 [sflag:s8], $0x0  }
0x24: {  	s3 =	sadd.s32 $0x88, s3;
	s6 =	simm.s32 @!p1 $0x1082;
	[sflag:s4] =	ssyncset.s32 $0xFFFFF086  }
0x25: {  	[simem:s6], [sflag:s4] =	dma.local [hbm:s3], $0xF7A  }
0x26: {  	[smem:$0x3F99] =	sst s1;
	(tag) =	ssettag s2;
	_ =	strace s9  }
0x27: {  	s1 =	sld [smem:$0x3FA9]  }
0x28: {  	s2 =	sld [smem:$0x3FAA]  }
0x29: {  	s4 =	sld [smem:$0x3FAC]  }
0x2a: {  	p0 =	seq.s32 s5, $0x0;
	s5 =	sld [smem:$0x3FAD]  }
0x2b: {  	s6 =	sld [smem:$0x3FAE]  }
0x2c: {  	s7 =	sld [smem:$0x3FAF]  }
0x2d: {  	s3 =	simm.s32 $0x108;
	s8 =	sld [smem:$0x3FB0]  }
0x2e: {  	s3 =	simm.s32 @!p0 $0x1082;
	s9 =	sld [smem:$0x3FB1]  }
0x2f: {  	lr =	sadd.s32 s0, s3;
	s0 =	sld [smem:$0x3FA8]  }
0x30: {  	s3 =	sld [smem:$0x3FAB]  }
0x31: {  	[smem:$0x3FB4] =	sst s10  }
0x32: {  	s10 =	sld [smem:$0x3FB2];
	_ =	sdelay $0x3  }
0x33: {  	p0 =	seq.s32 s10, $0x1;
	s10 =	sld [smem:$0x3FB4];
	_ =	sdelay $0x3  }
0x34: {  	[smem:$0x3FB4] =	sst s10  }
0x35: {  	s10 =	sld [smem:$0x3FB3];
	_ =	sdelay $0x3  }
0x36: {  	p1 =	seq.s32 s10, $0x1;
	s10 =	sld [smem:$0x3FB4];
	_ =	sdelay $0x3  }
0x37: {  	[smem:$0x3FB4] =	sst s10  }
0x38: {  	s10 =	sld [smem:$0x3FB5]  }
0x39: {  	_ = 	snop;
	(pc) =	sbr.ind lr, $3  }
0x3a: {  	_ = 	snop  }
0x3b: {  	_ = 	snop  }
0x3c: {  	p2 =	seq.s32 s10, $0x1;
	s10 =	sld [smem:$0x3FB4]  }
0x3d: {  	_ =	shalt  }
0x3e: {  	_ =	shalt  }
0x3f: {  	_ =	shalt  }
0x40: {  	_ =	shalt  }
0x41: {  	_ =	shalt  }
0x42: {  	_ =	shalt  }
0x43: {  	_ =	shalt  }
0x44: {  	_ =	shalt  }
0x45: {  	_ =	shalt  }
0x46: {  	_ =	shalt  }
0x47: {  	_ =	shalt  }
0x48: {  	_ =	shalt  }
0x49: {  	_ =	shalt  }
0x4a: {  	_ =	shalt  }
0x4b: {  	_ =	shalt  }
0x4c: {  	_ =	shalt  }
0x4d: {  	_ =	shalt  }
0x4e: {  	_ =	shalt  }
0x4f: {  	_ =	shalt  }
0x50: {  	_ =	shalt  }
0x51: {  	_ =	shalt  }
0x52: {  	_ =	shalt  }
0x53: {  	_ =	shalt  }
0x54: {  	_ =	shalt  }
0x55: {  	_ =	shalt  }
0x56: {  	_ =	shalt  }
0x57: {  	_ =	shalt  }
0x58: {  	_ =	shalt  }
0x59: {  	_ =	shalt  }
0x5a: {  	_ =	shalt  }
0x5b: {  	_ =	shalt  }
0x5c: {  	_ =	shalt  }
0x5d: {  	_ =	shalt  }
0x5e: {  	_ =	shalt  }
0x5f: {  	_ =	shalt  }
0x60: {  	_ =	shalt  }
0x61: {  	_ =	shalt  }
0x62: {  	_ =	shalt  }
0x63: {  	_ =	shalt  }
0x64: {  	_ =	shalt  }
0x65: {  	_ =	shalt  }
0x66: {  	_ =	shalt  }
0x67: {  	_ =	shalt  }
0x68: {  	_ =	shalt  }
0x69: {  	_ =	shalt  }
0x6a: {  	_ =	shalt  }
0x6b: {  	_ =	shalt  }
0x6c: {  	_ =	shalt  }
0x6d: {  	_ =	shalt  }
0x6e: {  	_ =	shalt  }
0x6f: {  	_ =	shalt  }
0x70: {  	_ =	shalt  }
0x71: {  	_ =	shalt  }
0x72: {  	_ =	shalt  }
0x73: {  	_ =	shalt  }
0x74: {  	_ =	shalt  }
0x75: {  	_ =	shalt  }
0x76: {  	_ =	shalt  }
0x77: {  	_ =	shalt  }
0x78: {  	_ =	shalt  }
0x79: {  	_ =	shalt  }
0x7a: {  	_ =	shalt  }
0x7b: {  	_ =	shalt  }
0x7c: {  	_ =	shalt  }
0x7d: {  	_ =	shalt  }
0x7e: {  	_ =	shalt  }
0x7f: {  	_ =	shalt  }
0x80: {  	_ =	shalt  }
0x81: {  	_ =	shalt  }
0x82: {  	_ =	shalt  }
0x83: {  	_ =	shalt  }
0x84: {  	_ =	shalt  }
0x85: {  	_ =	shalt  }
0x86: {  	_ =	shalt  }
0x87: {  	_ =	shalt  }
.Lfunc_end0:
.L_simem_size_0:
called_computation.2_lowered:
.L_overlay_start_0:
0x88: {  	s2 =	sld [smem:$0x3FD9]  }
0x89: {  	s3 =	sld [smem:$0x3FFE];
	_ =	sdelay $0x1  }
0x8a: {  	s1 =	srdreg.scid  }
0x8b: {  	s0 =	sand.u32 $0x1, s1  }
0x8c: {  	s14 =	sshll.u32 s0, $0xA;
	s2 =	sadd.s32 s3, s2  }
0x8d: {  	s2 =	sadd.s32 s2, s14  }
0x8e: {  	[smem:$0x3FC0] =	sst s2  }
0x8f: {  	_ = 	snop  }
0x90: {  	s2 =	sld [smem:$0x3FD0];
	_ =	sdelay $0x2  }
0x91: {  	s4 =	simm.s32 $0xB;
	s5 =	simm.s32 $0x10;
	s15 =	sld [smem:$0x3FC6]  }
0x92: {  	[smem:s5], [sflag:s4] =	dma.local [hbm:s2], $0x1  }
0x93: {  	_ =	swait.eq [sflag:s4], $0x1  }
0x94: {  	[sflag:s4] =	ssyncset.done $0x0  }
0x95: {  	[sflag:s4] =	ssyncadd.s32 $0xFFFFFFFF  }
0x96: {  	s16 =	sld [smem:$0x12];
	(tm) =	ssettm $0x1  }
0x97: {  	s17 =	sld [smem:$0x3FFB];
	_ =	sdelay $0x3  }
0x98: {  	_ =	strace s17  }
0x99: {  	s4 =	sld [smem:$0x3FFC];
	_ =	sdelay $0x3  }
0x9a: {  	_ =	strace s4  }
0x9b: {  	s4 =	sld [smem:$0x3FFD];
	_ =	sdelay $0x3  }
0x9c: {  	_ =	strace s4  }
0x9d: {  	_ =	strace $0x8FFFFFFF  }
0x9e: {  	s18 =	sld [smem:$0x3FDB];
	_ =	sdelay $0x1  }
0x9f: {  	s19 =	simm.s32 $_scs_section_size  }
0xa0: {  	s6 =	simm.s32 $_size__tile_overlayer_lowered;
	s7 =	simm.s32 $_tile_overlayer_lowered  }
0xa1: {  	s22 =	simm.s32 $0x1BFF;
	s21 =	sshll.u32 s7, $0x1;
	s4 =	sadd.s32 s19, s18  }
0xa2: {  	s8 =	simm.s32 $0x0;
	s20 =	sshll.u32 s6, $0x1;
	s6 =	sadd.s32 s21, s4  }
0xa3: {  	[timem:s8], [sflag:s22] =	dma.local [hbm:s6], s20  }
0xa4: {  	_ =	swait.ge [sflag:s22], s20  }
0xa5: {  	s5 =	ssub.s32 $0x0, s20;
	[sflag:s22] =	ssyncset.done $0x0  }
0xa6: {  	[sflag:s22] =	ssyncadd.s32 s5;
	_ =	sdelay $0x1  }
0xa7: {  	s23 =	simm.s32 $0x1B8B  }
0xa8: {  	_ =	swait.ge [sflag:s23], $0x1  }
0xa9: {  	[sflag:s23] =	ssyncset.done $0x0  }
0xaa: {  	s25 =	simm.s32 $0x1B8E;
	s24 =	sld [smem:$0x3FFE];
	[sflag:s23] =	ssyncadd.s32 $0xFFFFFFFF  }
0xab: {  	s26 =	simm.s32 $execute0_lowered;
	[smem:$0x3FD2] =	sst s25  }
0xac: {  	s6 =	sshll.u32 s26, $0x1;
	_ =	strace $0x80000046;
	[dreg:$0x1] =	wrdreg $0xFFFFFFFF  }
0xad: {  	s28 =	simm.s32 $_size_execute0_lowered;
	s4 =	sadd.s32 s4, s6;
	[dreg:$0x0] =	wrdreg $0x0  }
0xae: {  	s6 =	sshll.u32 s28, $0x1;
	[dreg:$0x2] =	wrdreg s4  }
0xaf: {  	[dreg:$0x3] =	wrdreg s6  }
0xb0: {  	[dreg:$0x4] =	wrdreg $0xC0  }
0xb1: {  	_ =	task [dreg:s8], $0x5FFFF  }
0xb2: {  	[dreg:$0x1] =	wrdreg $0xFFFFFFFF  }
0xb3: {  	[dreg:$0x0] =	wrdreg $0x60  }
0xb4: {  	[dreg:$0x2] =	wrdreg s15  }
0xb5: {  	[dreg:$0x3] =	wrdreg s16  }
0xb6: {  	[dreg:$0x4] =	wrdreg s24  }
0xb7: {  	[dreg:$0x5] =	wrdreg $0xA  }
0xb8: {  	_ =	task.clear_ibuf [dreg:s8], $0x6FFFF;
	_ =	strace $0x90000046  }
0xb9: {  	s29 =	simm.s32 $0xA;
	_ =	strace $0x80000048  }
0xba: {  	_ =	swait.ge [sflag:s29], $0x1  }
0xbb: {  	[sflag:s29] =	ssyncadd.s32 $0xFFFFFFFF  }
0xbc: {  	_ =	strace $0x90000048  }
0xbd: {  	_ =	sfence  }
0xbe: {  	s30 =	sld [smem:$0x0];
	_ =	sdelay $0x2  }
0xbf: {  	s31 =	sshll.u32 s1, $0xD;
	s1 =	sshrl.u32 s1, $0x2  }
0xc0: {  	s3 =	sand.u32 $0x4000, s31;
	s1 =	sadd.s32 s1, s30  }
0xc1: {  	s0 =	sor.u32 s3, s0;
	s1 =	sshll.u32 s1, $0x11  }
0xc2: {  	s0 =	sor.u32 s1, s0  }
0xc3: {  	s0 =	sadd.s32 $0x8F2B, s0  }
0xc4: {  	[sflag:s0] =	ssyncadd.remote.s32 $0x1  }
0xc5: {  	_ =	sfence.sel $0xFFFF  }
0xc6: {  	[dreg:$0x0] =	wrdreg $0xFFFFFFFF;
	(pc) =	sbr.abs _section_cstart, $3  }
0xc7: {  	[dreg:$0x1] =	wrdreg $0xFFFFFFFF  }
0xc8: {  	_ =	task.clear_ibuf [dreg:s8], $0x2FFFF;
	_ =	strace $0x9FFFFFFF  }
0xc9: {  	(tm) =	ssettm $0x7FFFFFFF  }
tec
execute0_lowered:
.L_overlay_start_1:
0x0: {  	(tag) =	ssettag $0x1  }
0x1: {  	s2 =	rddreg [dreg:$0x0]  }
0x2: {  	s1 =	srdreg.scid;
	s3 =	rddreg [dreg:$0x1]  }
0x3: {  	s0 =	stileid.u32;
	s5 =	rddreg [dreg:$0x2]  }
0x4: {  	s9 =	simm.s32 $0x1;
	s10 =	simm.s32 $0x3;
	s1 =	sshll.u32 s1, $0x9  }
0x5: {  	s13 =	simm.s32 $0x0;
	s4 =	sshll.u32 s0, $0xA;
	s6 =	sand.u32 $0x200, s1  }
0x6: {  	s12 =	simm.s32 $0x0;
	s5 =	sadd.s32 $0x4C00, s5;
	s4 =	sor.u32 s4, s6  }
0x7: {  	s1 =	rddreg [dreg:$0x3];
	_ =	strace $0x80000047;
	s8 =	ssub.s32 $0x8000, s4  }
.Ltmp0:
0x8: {  	s6 =	simm.s32 $0x1;
	s7 =	sand.u32 $0x3E00, s8;
	(pc) =	sbr.rel .LBB2_1-.Ltmp0, $4  }
0x9: {  	[sflag:s6] =	ssyncpa.u1 $0x0;
	s11 =	smov.u32 s4;
	p0 =	sne.s32 s7, $0x0  }
0xa: {  	s8 =	sshrl.u32 s8, $0xE;
	s7 =	simm.s32 $0x2;
	s9 =	simm.s32 @!p0 $0x0  }
0xb: {  	[sflag:s7] =	ssyncpa.u1 $0x0;
	p0 =	por $0x0, $0x0;
	s8 =	sadd.s32 s9, s8  }
0xc: {  	vm0 =	vmmov $0xffff;
	[sflag:s10] =	ssyncpa.u1 $0x0;
	s10 =	simm.s32 $0x0;
	s9 =	sadd.s32 $0x1, s8  }
.LBB2_4:
0xd: {  	v2 =	vnsel vm1, $0x0, v2  }
0xe: {  	vm1 =	vgt.s32 v0, $0x0;
	v2 =	vmin.u32 v2, $0x1869F  }
0xf: {  	v0 =	vnsel vm1, $0x0, v0  }
0x10: {  	v0 =	vmin.u32 v0, $0x1869F  }
0x11: {  	[tilespmem:s15], [sflag:$0x1] =	stream.indirect_vreg.gather [hbm4b:s2+s10], $0x1, v1, vm0, $0x4038;
	[tilespmem:$0x800] =	vst v63  }
0x12: {  	(ifvalue) =	ssetifvalue $0x7FFFFFFF  }
0x13: {  	[tilespmem:s16], [sflag:$0x1] =	stream.indirect_vreg.gather [hbm4b:s2+s10], $0x1, v2, vm0, $0x4038;
	[tilespmem:$0x800] =	vst v63  }
0x14: {  	s29 =	sadd.s32 $0x10, s16;
	(ifvalue) =	ssetifvalue $0x7FFFFFFF  }
0x15: {  	[tilespmem:s29], [sflag:$0x1] =	stream.indirect_vreg.gather [hbm4b:s2+s10], $0x1, v0, vm0, $0x4038;
	[tilespmem:$0x800] =	vst v63  }
0x16: {  	_ =	swait.ge [sflag:s6], $0x200  }
0x17: {  	s30 =	sshrl.u32 s13, $0x3;
	[sflag:s6] =	ssyncset.done $0x0  }
0x18: {  	s31 =	sand.u32 $0x7, s13;
	s15 =	sadd.s32 s5, s30;
	[sflag:s6] =	ssyncadd.s32 $0xFFFFFE00  }
0x19: {  	[hbm4b:s15+s31] =	stream.linear.scatter [tilespmem:s14], [sflag:$0x3], $0x200, $0x38;
	[tilespmem:$0x800] =	vst v63  }
.LBB2_5:
0x1a: {  	s15 =	sadd.s32 $0x4000, s11  }
0x1b: {  	p2 =	sgt.s32 s15, $0x7FFF  }
0x1c: {  	s15 =	smov.u32 @p2 s4;
	p2 =	sne.s32 s12, s9  }
.Ltmp1:
0x1d: {  	p1 =	slt.u32 s12, $0x2;
	(pc) =	sbr.rel @!p2 .LBB2_6-.Ltmp1, $4  }
0x1e: {  	s14 =	simm.s32 @!p1 $0x3  }
0x1f: {  	s16 =	sadd.s32 $0x1, s12;
	_ =	swait.ge @!p1 [sflag:s14], $0x200  }
0x20: {  	s13 =	smov.u32 s11;
	p0 =	por !p0, !p0;
	[sflag:s14] =	ssyncset.done @!p1 $0x0  }
0x21: {  	s12 =	smov.u32 s16;
	s11 =	smov.u32 s15;
	[sflag:s14] =	ssyncadd.s32 @!p1 $0xFFFFFE00  }
.LBB2_1:
0x22: {  	p1 =	sge.u32 s12, s8  }
0x23: {  	s14 =	sxor.u32 @!p1 $0xFFFFFFFF, s12  }
0x24: {  	s31 =	sadd.s32 $0xFFFFFFFF, s12;
	s15 =	sshrl.u32 @!p1 s11, $0x3;
	s14 =	sshll.u32 @!p1 s14, $0x9  }
0x25: {  	s16 =	sand.u32 @!p1 $0x7, s11;
	s15 =	sadd.s32 @!p1 s3, s15;
	s14 =	sand.u32 @!p1 $0x200, s14  }
0x26: {  	[tilespmem:s14], [sflag:$0x2] =	stream.linear.gather @!p1 [hbm4b:s15+s16], $0x200, $0x38;
	[tilespmem:$0x800] =	vst v63  }
0x27: {  	p1 =	sge.u32 s31, s8  }
.Ltmp2:
0x28: {  	_ = 	snop;
	(pc) =	sbr.rel @p1 .LBB2_5-.Ltmp2, $1  }
0x29: {  	_ =	sdelay $0x3  }
0x2a: {  	s14 =	simm.s32 $0x1  }
0x2b: {  	_ =	swait.ge [sflag:s7], $0x200;
	s14 =	simm.s32 @!p0 $0x0  }
0x2c: {  	[sflag:s7] =	ssyncset.done $0x0;
	s14 =	sshll.u32 s14, $0x9  }
0x2d: {  	[sflag:s7] =	ssyncadd.s32 $0xFFFFFE00;
	(ifvalue) =	ssetifvalue $0x7FFFFFFF;
	v0 =	vld.msk [tilespmem:s14+$0x0 ss:$0x1], $0xffff;
	_ =	sdelay $0x4  }
0x2e: {  	s15 =	sadd.s32 $0x10, s14;
	vm1 =	vgt.s32 v0, $0x0  }
0x2f: {  	v2 =	vld.msk [tilespmem:s15+$0x0 ss:$0x1], $0xffff;
	v1 =	vnsel vm1, $0x0, v0  }
0x30: {  	v1 =	vmin.u32 v1, $0x1869F;
	_ =	sdelay $0x1  }
0x31: {  	s16 =	sshll.u32 s12, $0x9;
	s18 =	simm.s32 $0x20  }
0x32: {  	s16 =	sand.u32 $0x200, s16;
	s17 =	sadd.s32 $0x10, s15;
	s15 =	sor.u32 $0x400, s14  }
0x33: {  	s14 =	sor.u32 $0x400, s16;
	s16 =	sadd.s32 $0x10, s15;
	v0 =	vld.msk [tilespmem:s17+$0x0 ss:$0x1], $0xffff;
	vm1 =	vgt.s32 v2, $0x0;
	(ifvalue) =	ssetifvalue $0x7FFFFFFF  }
.LBB2_3:
0x34: {  	[tilespmem:s15], [sflag:$0x1] =	stream.indirect_vreg.gather [hbm4b:s2+s10], $0x1, v1, vm0, $0x4038;
	[tilespmem:$0x800] =	vst v63  }
0x35: {  	s18 =	sadd.s32 $0x10, s18  }
0x36: {  	v2 =	vnsel vm1, $0x0, v2;
	p1 =	slt.u32 s18, $0x1F0  }
.Ltmp3:
0x37: {  	s15 =	smov.u32 s16;
	v1 =	vmin.u32 v2, $0x1869F;
	(pc) =	sbr.rel @p1 .LBB2_3-.Ltmp3, $3  }
0x38: {  	_ =	sdelay $0x1  }
0x39: {  	s17 =	sadd.s32 $0x10, s17  }
0x3a: {  	vm1 =	vgt.s32 v0, $0x0;
	s16 =	sadd.s32 $0x10, s16;
	v2 =	vmov v0;
	(ifvalue) =	ssetifvalue $0x7FFFFFFF;
	v0 =	vld.msk [tilespmem:s17+$0x0 ss:$0x1], $0xffff  }
.Ltmp4:
0x3b: {  	_ = 	snop;
	(pc) =	sbr.rel .LBB2_4-.Ltmp4, $1  }
0x3c: {  	_ =	sdelay $0x3  }
.LBB2_6:
0x3d: {  	_ =	sfence.sel $0x180000  }
0x3e: {  	s2 =	simm.s32 $0x2;
	[bflag:$0x0] =	sbarrier.arrive $0xFFFF  }
0x3f: {  	s30 =	simm.s32 $0x3;
	[sflag:s2] =	ssyncpa.u1 $0x1  }
0x40: {  	s31 =	simm.s32 $0x1;
	[sflag:s30] =	ssyncpa.u1 $0x1  }
0x41: {  	[sflag:s31] =	ssyncpa.u1 $0x1  }
0x42: {  	p0 =	sne.s32 s0, $0x0;
	_ =	strace $0x90000047  }
0x43: {  	s0 =	sadd.s32 @!p0 $0x100000, s1;
	[bflag:$0x2] =	sbarrier.arrive $0xFFFF  }
0x44: {  	[sflag:s0] =	ssyncadd.tile.s32 @!p0 $0x1;
	_ =	shalt  }
.Lfunc_end2:
_tile_overlayer_lowered:
.L_overlay_start_2:
0x45: {  	(tag) =	ssettag $0x2  }
0x46: {  	s0 =	rddreg [dreg:$0x0];
	s2 =	stileid.u32  }
0x47: {  	s1 =	rddreg [dreg:$0x1];
	p0 =	sne.s32 s2, $0x0  }
0x48: {  	s3 =	rddreg [dreg:$0x2];
	[bflag:$0x3] =	sbarrier.arrive $0xFFFF;
	s2 =	simm.s32 @!p0 $0x1C01  }
0x49: {  	[timem:s3], [sflag:s2] =	dma.local @!p0 [hbm:s0], s1  }
0x4a: {  	s0 =	simm.s32 @!p0 $0x1  }
0x4b: {  	_ =	swait.ge @!p0 [sflag:s0], s1  }
0x4c: {  	s1 =	ssub.s32 @!p0 $0x0, s1;
	[sflag:s0] =	ssyncset.done @!p0 $0x0  }
0x4d: {  	[sflag:s0] =	ssyncadd.s32 @!p0 s1  }
0x4e: {  	[bflag:$0x3] =	sbarrier.arrive $0xFFFF  }
0x4f: {  	_ =	shalt  }

// kernel: gather_offload_async_start
scs
__scs_entry_jumppad:
0x0: {  	(pc) =	sbr.rel $0x88, $3  }
0x1: {  	(tag) =	ssettag $0x0;
	lr =	simm.s32 $0x1  }
0x2: {  	[smem:$0x3F99] =	sst lr;
	_ =	strace $0xD0000000  }
0x3: {  	_ = 	snop  }
0x4: {  	_ = 	snop  }
0x5: {  	_ = 	snop  }
0x6: {  	_ = 	snop  }
0x7: {  	_ = 	snop  }
__scs_overlays_trampoline_lowered:
0x8: {  	[smem:$0x3FA8] =	sst s0  }
0x9: {  	[smem:$0x3FA9] =	sst s1  }
0xa: {  	[smem:$0x3FAA] =	sst s2  }
0xb: {  	[smem:$0x3FAB] =	sst s3  }
0xc: {  	[smem:$0x3FAC] =	sst s4  }
0xd: {  	[smem:$0x3FAD] =	sst s5  }
0xe: {  	[smem:$0x3FAE] =	sst s6  }
0xf: {  	[smem:$0x3FAF] =	sst s7  }
0x10: {  	[smem:$0x3FB0] =	sst s8  }
0x11: {  	[smem:$0x3FB1] =	sst s9;
	s0 =	simm.s32 @!p0 $0x0  }
0x12: {  	s1 =	sld [smem:$0x3F97];
	s0 =	simm.s32 @p0 $0x1  }
0x13: {  	[smem:$0x3FB2] =	sst s0;
	s0 =	simm.s32 @!p1 $0x0  }
0x14: {  	s2 =	sld [smem:$0x3F96];
	s0 =	simm.s32 @p1 $0x1  }
0x15: {  	[smem:$0x3FB3] =	sst s0;
	s0 =	simm.s32 @!p2 $0x0  }
0x16: {  	s3 =	sld [smem:$0x3FDB];
	s0 =	simm.s32 @p2 $0x1  }
0x17: {  	s4 =	simm.s32 $0x1BF5;
	[smem:$0x3FB5] =	sst s0  }
0x18: {  	s0 =	sld [smem:$0x3F98];
	_ =	swait.ge [sflag:s4], $0x0  }
0x19: {  	s7 =	sld [smem:$0x3F99]  }
0x1a: {  	s8 =	sadd.s32 $0xFFFFE003, lr  }
0x1b: {  	s9 =	sadd.s32 $0xFFFFFEF7, lr;
	s5 =	simm.s32 $0xFFFFFFFF;
	p2 =	slt.u32 s8, $0xFFFFF086  }
0x1c: {  	p1 =	slt.u32 s9, $0xF7A;
	s5 =	simm.s32 @!p2 $0x0  }
0x1d: {  	s5 =	simm.s32 @p1 $0x1;
	p0 =	seq.s32 s7, s2  }
0x1e: {  	s7 =	smul.u32 @!p0 $0xF7A, s2;
	p2 =	seq.s32 @!p0 s5, $0x0  }
0x1f: {  	s9 =	smul.u32 $0xF7A, s1;
	s8 =	simm.s32 @!p0 $0x1BF5;
	p2 =	por !p2, p0  }
0x20: {  	[sflag:s8] =	ssyncset.s32 @!p0 $0xFFFFF086;
	s6 =	sadd.s32 @!p0 s3, s7;
	s7 =	simm.s32 @!p0 $0x108  }
0x21: {  	s3 =	sadd.s32 s3, s9;
	s6 =	sadd.s32 @!p0 $0x88, s6;
	s7 =	simm.s32 @p2 $0x1082  }
0x22: {  	[simem:s7], [sflag:s8] =	dma.local @!p0 [hbm:s6], $0xF7A  }
0x23: {  	s9 =	sor.u32 $0xD0000000, s2;
	s6 =	simm.s32 $0x108;
	_ =	swait.ge @!p0 [sflag:s8], $0x0  }
0x24: {  	s3 =	sadd.s32 $0x88, s3;
	s6 =	simm.s32 @!p1 $0x1082;
	[sflag:s4] =	ssyncset.s32 $0xFFFFF086  }
0x25: {  	[simem:s6], [sflag:s4] =	dma.local [hbm:s3], $0xF7A  }
0x26: {  	[smem:$0x3F99] =	sst s1;
	(tag) =	ssettag s2;
	_ =	strace s9  }
0x27: {  	s1 =	sld [smem:$0x3FA9]  }
0x28: {  	s2 =	sld [smem:$0x3FAA]  }
0x29: {  	s4 =	sld [smem:$0x3FAC]  }
0x2a: {  	p0 =	seq.s32 s5, $0x0;
	s5 =	sld [smem:$0x3FAD]  }
0x2b: {  	s6 =	sld [smem:$0x3FAE]  }
0x2c: {  	s7 =	sld [smem:$0x3FAF]  }
0x2d: {  	s3 =	simm.s32 $0x108;
	s8 =	sld [smem:$0x3FB0]  }
0x2e: {  	s3 =	simm.s32 @!p0 $0x1082;
	s9 =	sld [smem:$0x3FB1]  }
0x2f: {  	lr =	sadd.s32 s0, s3;
	s0 =	sld [smem:$0x3FA8]  }
0x30: {  	s3 =	sld [smem:$0x3FAB]  }
0x31: {  	[smem:$0x3FB4] =	sst s10  }
0x32: {  	s10 =	sld [smem:$0x3FB2];
	_ =	sdelay $0x3  }
0x33: {  	p0 =	seq.s32 s10, $0x1;
	s10 =	sld [smem:$0x3FB4];
	_ =	sdelay $0x3  }
0x34: {  	[smem:$0x3FB4] =	sst s10  }
0x35: {  	s10 =	sld [smem:$0x3FB3];
	_ =	sdelay $0x3  }
0x36: {  	p1 =	seq.s32 s10, $0x1;
	s10 =	sld [smem:$0x3FB4];
	_ =	sdelay $0x3  }
0x37: {  	[smem:$0x3FB4] =	sst s10  }
0x38: {  	s10 =	sld [smem:$0x3FB5]  }
0x39: {  	_ = 	snop;
	(pc) =	sbr.ind lr, $3  }
0x3a: {  	_ = 	snop  }
0x3b: {  	_ = 	snop  }
0x3c: {  	p2 =	seq.s32 s10, $0x1;
	s10 =	sld [smem:$0x3FB4]  }
0x3d: {  	_ =	shalt  }
0x3e: {  	_ =	shalt  }
0x3f: {  	_ =	shalt  }
0x40: {  	_ =	shalt  }
0x41: {  	_ =	shalt  }
0x42: {  	_ =	shalt  }
0x43: {  	_ =	shalt  }
0x44: {  	_ =	shalt  }
0x45: {  	_ =	shalt  }
0x46: {  	_ =	shalt  }
0x47: {  	_ =	shalt  }
0x48: {  	_ =	shalt  }
0x49: {  	_ =	shalt  }
0x4a: {  	_ =	shalt  }
0x4b: {  	_ =	shalt  }
0x4c: {  	_ =	shalt  }
0x4d: {  	_ =	shalt  }
0x4e: {  	_ =	shalt  }
0x4f: {  	_ =	shalt  }
0x50: {  	_ =	shalt  }
0x51: {  	_ =	shalt  }
0x52: {  	_ =	shalt  }
0x53: {  	_ =	shalt  }
0x54: {  	_ =	shalt  }
0x55: {  	_ =	shalt  }
0x56: {  	_ =	shalt  }
0x57: {  	_ =	shalt  }
0x58: {  	_ =	shalt  }
0x59: {  	_ =	shalt  }
0x5a: {  	_ =	shalt  }
0x5b: {  	_ =	shalt  }
0x5c: {  	_ =	shalt  }
0x5d: {  	_ =	shalt  }
0x5e: {  	_ =	shalt  }
0x5f: {  	_ =	shalt  }
0x60: {  	_ =	shalt  }
0x61: {  	_ =	shalt  }
0x62: {  	_ =	shalt  }
0x63: {  	_ =	shalt  }
0x64: {  	_ =	shalt  }
0x65: {  	_ =	shalt  }
0x66: {  	_ =	shalt  }
0x67: {  	_ =	shalt  }
0x68: {  	_ =	shalt  }
0x69: {  	_ =	shalt  }
0x6a: {  	_ =	shalt  }
0x6b: {  	_ =	shalt  }
0x6c: {  	_ =	shalt  }
0x6d: {  	_ =	shalt  }
0x6e: {  	_ =	shalt  }
0x6f: {  	_ =	shalt  }
0x70: {  	_ =	shalt  }
0x71: {  	_ =	shalt  }
0x72: {  	_ =	shalt  }
0x73: {  	_ =	shalt  }
0x74: {  	_ =	shalt  }
0x75: {  	_ =	shalt  }
0x76: {  	_ =	shalt  }
0x77: {  	_ =	shalt  }
0x78: {  	_ =	shalt  }
0x79: {  	_ =	shalt  }
0x7a: {  	_ =	shalt  }
0x7b: {  	_ =	shalt  }
0x7c: {  	_ =	shalt  }
0x7d: {  	_ =	shalt  }
0x7e: {  	_ =	shalt  }
0x7f: {  	_ =	shalt  }
0x80: {  	_ =	shalt  }
0x81: {  	_ =	shalt  }
0x82: {  	_ =	shalt  }
0x83: {  	_ =	shalt  }
0x84: {  	_ =	shalt  }
0x85: {  	_ =	shalt  }
0x86: {  	_ =	shalt  }
0x87: {  	_ =	shalt  }
.Lfunc_end0:
.L_simem_size_0:
called_computation.1_lowered:
.L_overlay_start_0:
0x88: {  	s2 =	sld [smem:$0x3FD9]  }
0x89: {  	s3 =	sld [smem:$0x3FFE];
	_ =	sdelay $0x1  }
0x8a: {  	s1 =	srdreg.scid  }
0x8b: {  	s0 =	sand.u32 $0x1, s1  }
0x8c: {  	s15 =	sshll.u32 s0, $0xA;
	s2 =	sadd.s32 s3, s2  }
0x8d: {  	s2 =	sadd.s32 s2, s15  }
0x8e: {  	[smem:$0x3FC0] =	sst s2  }
0x8f: {  	_ = 	snop  }
0x90: {  	s16 =	sld [smem:$0x3FD0];
	_ =	sdelay $0x2  }
0x91: {  	s4 =	simm.s32 $0xB;
	s5 =	simm.s32 $0x10;
	s2 =	sld [smem:$0x3FC9]  }
0x92: {  	[smem:s5], [sflag:s4] =	dma.local [hbm:s16], $0x1  }
0x93: {  	_ =	swait.eq [sflag:s4], $0x1  }
0x94: {  	[sflag:s4] =	ssyncset.done $0x0  }
0x95: {  	[sflag:s4] =	ssyncadd.s32 $0xFFFFFFFF  }
0x96: {  	s17 =	sld [smem:$0x12];
	(tm) =	ssettm $0x1  }
0x97: {  	s18 =	sld [smem:$0x3FFB];
	_ =	sdelay $0x3  }
0x98: {  	_ =	strace s18  }
0x99: {  	s3 =	sld [smem:$0x3FFC];
	_ =	sdelay $0x3  }
0x9a: {  	_ =	strace s3  }
0x9b: {  	s3 =	sld [smem:$0x3FFD];
	_ =	sdelay $0x3  }
0x9c: {  	_ =	strace s3  }
0x9d: {  	_ =	strace $0x8FFFFFFF  }
0x9e: {  	s19 =	sld [smem:$0x3FDB];
	_ =	sdelay $0x1  }
0x9f: {  	s20 =	simm.s32 $_scs_section_size  }
0xa0: {  	s6 =	simm.s32 $_size__tile_overlayer_lowered;
	s7 =	simm.s32 $_tile_overlayer_lowered  }
0xa1: {  	s8 =	simm.s32 $0x1BFF;
	s21 =	sshll.u32 s7, $0x1;
	s5 =	sadd.s32 s20, s19  }
0xa2: {  	s22 =	simm.s32 $0x0;
	s6 =	sshll.u32 s6, $0x1;
	s7 =	sadd.s32 s21, s5  }
0xa3: {  	[timem:s22], [sflag:s8] =	dma.local [hbm:s7], s6  }
0xa4: {  	_ =	swait.ge [sflag:s8], s6  }
0xa5: {  	s6 =	ssub.s32 $0x0, s6;
	[sflag:s8] =	ssyncset.done $0x0  }
0xa6: {  	[sflag:s8] =	ssyncadd.s32 s6;
	_ =	sdelay $0x1  }
0xa7: {  	s23 =	simm.s32 $0x1B8B  }
0xa8: {  	_ =	swait.ge [sflag:s23], $0x1  }
0xa9: {  	[sflag:s23] =	ssyncset.done $0x0  }
0xaa: {  	[sflag:s23] =	ssyncadd.s32 $0xFFFFFFFF  }
0xab: {  	s6 =	sld [smem:$0x0]  }
0xac: {  	s7 =	sand.u32 $0xFFFFFFFE, s1  }
0xad: {  	p0 =	sne.s32 s1, s7  }
0xae: {  	s7 =	sshll.u32 @p0 s7, $0xE  }
0xaf: {  	s7 =	sadd.s32 @p0 $0x11B8D, s7;
	s8 =	sshll.u32 @p0 s6, $0x11  }
0xb0: {  	s7 =	sor.u32 @p0 s8, s7  }
0xb1: {  	[sflag:s7] =	ssyncadd.remote.s32 @p0 $0x1;
	_ =	sdelay $0x1  }
0xb2: {  	s7 =	simm.s32 @p0 $0x1B8D  }
0xb3: {  	_ =	swait.eq @p0 [sflag:s7], $0x1  }
0xb4: {  	[sflag:s7] =	ssyncadd.s32 @p0 $0xFFFFFFFF  }
0xb5: {  	s8 =	sshll.u32 @!p0 s1, $0xE  }
0xb6: {  	s8 =	sor.u32 @!p0 $0x4000, s8;
	s7 =	simm.s32 @!p0 $0x1B8D  }
0xb7: {  	s6 =	sshll.u32 @!p0 s6, $0x11;
	s8 =	sadd.s32 @!p0 $0x11B8D, s8;
	_ =	swait.eq @!p0 [sflag:s7], $0x1  }
0xb8: {  	s6 =	sor.u32 @!p0 s6, s8;
	[sflag:s7] =	ssyncadd.s32 @!p0 $0xFFFFFFFF  }
0xb9: {  	s25 =	simm.s32 $0x1B8E;
	s24 =	sld [smem:$0x3FFE];
	[sflag:s6] =	ssyncadd.remote.s32 @!p0 $0x1  }
0xba: {  	s26 =	simm.s32 $execute0_lowered;
	[smem:$0x3FD2] =	sst s25  }
0xbb: {  	s7 =	sshll.u32 s26, $0x1;
	_ =	strace $0x80000049;
	[dreg:$0x1] =	wrdreg $0xFFFFFFFF  }
0xbc: {  	s28 =	simm.s32 $_size_execute0_lowered;
	s5 =	sadd.s32 s5, s7;
	[dreg:$0x0] =	wrdreg $0x0  }
0xbd: {  	s7 =	sshll.u32 s28, $0x1;
	[dreg:$0x2] =	wrdreg s5  }
0xbe: {  	[dreg:$0x3] =	wrdreg s7  }
0xbf: {  	[dreg:$0x4] =	wrdreg $0xC0  }
0xc0: {  	_ =	task [dreg:s22], $0x5FFFF  }
0xc1: {  	[dreg:$0x1] =	wrdreg $0xFFFFFFFF  }
0xc2: {  	[dreg:$0x0] =	wrdreg $0x60  }
0xc3: {  	[dreg:$0x2] =	wrdreg s2  }
0xc4: {  	[dreg:$0x3] =	wrdreg s17  }
0xc5: {  	[dreg:$0x4] =	wrdreg s24  }
0xc6: {  	[dreg:$0x5] =	wrdreg $0x9  }
0xc7: {  	_ =	task.clear_ibuf [dreg:s22], $0x6FFFF;
	_ =	strace $0x90000049  }
0xc8: {  	s29 =	simm.s32 $0x9;
	_ =	strace $0x8000004B  }
0xc9: {  	_ =	swait.ge [sflag:s29], $0x1  }
0xca: {  	[sflag:s29] =	ssyncadd.s32 $0xFFFFFFFF  }
0xcb: {  	_ =	strace $0x9000004B  }
0xcc: {  	_ =	sfence  }
0xcd: {  	s30 =	sld [smem:$0x0];
	_ =	sdelay $0x2  }
0xce: {  	s31 =	sshll.u32 s1, $0xD;
	s1 =	sshrl.u32 s1, $0x2  }
0xcf: {  	s4 =	sand.u32 $0x4000, s31;
	s1 =	sadd.s32 s1, s30  }
0xd0: {  	s0 =	sor.u32 s4, s0;
	s1 =	sshll.u32 s1, $0x11  }
0xd1: {  	s0 =	sor.u32 s1, s0  }
0xd2: {  	s0 =	sadd.s32 $0x8F2B, s0  }
0xd3: {  	[sflag:s0] =	ssyncadd.remote.s32 $0x1  }
0xd4: {  	_ =	sfence.sel $0xFFFF  }
0xd5: {  	[dreg:$0x0] =	wrdreg $0xFFFFFFFF;
	(pc) =	sbr.abs _section_cstart, $3  }
0xd6: {  	[dreg:$0x1] =	wrdreg $0xFFFFFFFF  }
0xd7: {  	_ =	task.clear_ibuf [dreg:s22], $0x2FFFF;
	_ =	strace $0x9FFFFFFF  }
0xd8: {  	(tm) =	ssettm $0x7FFFFFFF  }
0xd9: {  	_ =	shalt  }
tec
execute0_lowered:
.L_overlay_start_1:
0x0: {  	(tag) =	ssettag $0x1  }
0x1: {  	s2 =	rddreg [dreg:$0x0]  }
0x2: {  	s3 =	rddreg [dreg:$0x1]  }
0x3: {  	s7 =	rddreg [dreg:$0x2]  }
0x4: {  	s0 =	rddreg [dreg:$0x3];
	s1 =	srdreg.scid;
	_ =	strace $0x8000004A  }
0x5: {  	s4 =	simm.s32 $0x1;
	s9 =	simm.s32 $0x3;
	s5 =	sshll.u32 s1, $0x4  }
.Ltmp0:
0x6: {  	s1 =	stileid.u32;
	s5 =	sand.u32 $0x10, s5;
	(pc) =	sbr.rel .LBB2_1-.Ltmp0, $4  }
0x7: {  	s11 =	simm.s32 $0x0;
	p0 =	por $0x0, $0x0;
	s6 =	sor.u32 s1, s5  }
0x8: {  	[sflag:s4] =	ssyncpa.u1 $0x0;
	s5 =	simm.s32 $0x2;
	s6 =	sshll.u32 s6, $0xA  }
0x9: {  	s7 =	sadd.s32 $0x5C00, s7;
	[sflag:s5] =	ssyncpa.u1 $0x0;
	s8 =	sadd.s32 $0x400, s6  }
0xa: {  	vm0 =	vmmov $0xff;
	vm1 =	vcmask $0x3F20;
	[sflag:s9] =	ssyncpa.u1 $0x0;
	s10 =	smov.u32 s6;
	s9 =	simm.s32 $0x0  }
.LBB2_7:
0xb: {  	p1 =	slt.u32 s9, $0x2;
	s11 =	sadd.s32 $0x100, s10  }
0xc: {  	s13 =	smov.u32 s6;
	s9 =	sadd.s32 $0x1, s9;
	p2 =	slt.s32 s11, s8  }
0xd: {  	s13 =	smov.u32 @p2 s11;
	p2 =	sne.s32 s9, $0x6  }
.Ltmp1:
0xe: {  	_ = 	snop;
	(pc) =	sbr.rel @!p2 .LBB2_8-.Ltmp1, $4  }
0xf: {  	s12 =	simm.s32 @!p1 $0x3  }
0x10: {  	_ =	swait.ge @!p1 [sflag:s12], $0x8000  }
0x11: {  	p0 =	por !p0, !p0;
	[sflag:s12] =	ssyncset.done @!p1 $0x0  }
0x12: {  	s11 =	smov.u32 s10;
	s10 =	smov.u32 s13;
	[sflag:s12] =	ssyncadd.s32 @!p1 $0xFFFF8000  }
.LBB2_1:
0x13: {  	p1 =	sgt.u32 s9, $0x3  }
0x14: {  	s12 =	sxor.u32 @!p1 $0xFFFFFFFF, s9  }
0x15: {  	s13 =	sshrl.u32 @!p1 s10, $0x3;
	s12 =	sshll.u32 @!p1 s12, $0x8  }
0x16: {  	s14 =	sand.u32 @!p1 $0x7, s10;
	s13 =	sadd.s32 @!p1 s3, s13;
	s12 =	sand.u32 @!p1 $0x100, s12  }
0x17: {  	[tilespmem:s12], [sflag:$0x2] =	stream.linear.gather @!p1 [hbm4b:s13+s14], $0x100, $0x38;
	[tilespmem:$0x10200] =	vst v63  }
0x18: {  	p1 =	seq.s32 s9, $0x0  }
0x19: {  	p2 =	seq.s32 @!p1 s9, $0x5  }
0x1a: {  	p1 =	por p1, p2  }
.Ltmp2:
0x1b: {  	_ = 	snop;
	(pc) =	sbr.rel @p1 .LBB2_7-.Ltmp2, $1  }
0x1c: {  	_ =	sdelay $0x3  }
0x1d: {  	s12 =	simm.s32 $0x1  }
0x1e: {  	_ =	swait.ge [sflag:s5], $0x100;
	s12 =	simm.s32 @!p0 $0x0  }
0x1f: {  	[sflag:s5] =	ssyncset.done $0x0;
	s14 =	sshll.u32 s12, $0x8  }
0x20: {  	[sflag:s5] =	ssyncadd.s32 $0xFFFFFF00;
	s13 =	sadd.s32 $0x0, s14  }
0x21: {  	v0 =	vld.msk [tilespmem:s13+$0x0 ss:$0x1], $0xffff;
	_ =	sdelay $0x4  }
0x22: {  	vm2 =	vgt.s32 v0, $0x0  }
0x23: {  	v0 =	vnsel vm2, $0x0, v0  }
0x24: {  	v0 =	vmin.u32 v0, $0x1869F  }
0x25: {  	v0 =	vshll.u32 v0, $0x4;
	_ =	sdelay $0x2  }
0x26: {  	s12 =	sshll.u32 s12, $0xF  }
0x27: {  	s12 =	sor.u32 $0x200, s12  }
0x28: {  	[tilespmem:s12], [sflag:$0x1] =	stream.indirect_vreg.gather [hbm:s2], $0x80, v0, vm0, $0x38;
	[tilespmem:$0x10200] =	vst v63  }
0x29: {  	s15 =	sadd.s32 $0x10, s14;
	s13 =	sadd.s32 $0x400, s12  }
0x2a: {  	[tilespmem:s13], [sflag:$0x1] =	stream.indirect_vreg.gather [hbm:s2], $0x80, v0, vm1, $0x38;
	[tilespmem:$0x10200] =	vst v63  }
0x2b: {  	s16 =	simm.s32 $0x80;
	v0 =	vld.msk [tilespmem:s15+$0x0 ss:$0x1], $0xffff;
	s15 =	smov.u32 s12  }
.LBB2_3:
0x2c: {  	p1 =	sne.s32 s16, $0x3C0;
	_ =	sdelay $0x4  }
0x2d: {  	vm2 =	vgt.s32 v0, $0x0  }
0x2e: {  	v0 =	vnsel vm2, $0x0, v0  }
0x2f: {  	v0 =	vmin.u32 v0, $0x1869F  }
0x30: {  	v0 =	vshll.u32 v0, $0x4;
	_ =	sdelay $0x3  }
.Ltmp3:
0x31: {  	s17 =	sshra.s32 s16, $0x2;
	s15 =	sadd.s32 $0x800, s15;
	(pc) =	sbr.rel @p1 .LBB2_3-.Ltmp3, $4  }
0x32: {  	[tilespmem:s15], [sflag:$0x1] =	stream.indirect_vreg.gather [hbm:s2], $0x80, v0, vm0, $0x38;
	[tilespmem:$0x10200] =	vst v63  }
0x33: {  	s17 =	sadd.s32 s17, s14;
	s18 =	sadd.s32 $0x400, s15  }
0x34: {  	[tilespmem:s18], [sflag:$0x1] =	stream.indirect_vreg.gather [hbm:s2], $0x80, v0, vm1, $0x38;
	[tilespmem:$0x10200] =	vst v63  }
0x35: {  	s16 =	sadd.s32 $0x40, s16;
	v0 =	vld.msk [tilespmem:s17+$0x0 ss:$0x1], $0xffff  }
0x36: {  	_ =	sdelay $0x3  }
0x37: {  	vm2 =	vgt.s32 v0, $0x0  }
0x38: {  	v0 =	vnsel vm2, $0x0, v0  }
0x39: {  	v0 =	vmin.u32 v0, $0x1869F  }
0x3a: {  	v0 =	vshll.u32 v0, $0x4;
	_ =	sdelay $0x3  }
0x3b: {  	s14 =	sadd.s32 $0x800, s15  }
0x3c: {  	[tilespmem:s14], [sflag:$0x1] =	stream.indirect_vreg.gather [hbm:s2], $0x80, v0, vm0, $0x38;
	[tilespmem:$0x10200] =	vst v63  }
0x3d: {  	s14 =	sadd.s32 $0x400, s14  }
0x3e: {  	[tilespmem:s14], [sflag:$0x1] =	stream.indirect_vreg.gather [hbm:s2], $0x80, v0, vm1, $0x38;
	[tilespmem:$0x10200] =	vst v63  }
0x3f: {  	s11 =	sshll.u32 s11, $0x4;
	_ =	swait.ge [sflag:s4], $0x8000  }
0x40: {  	s11 =	sadd.s32 s11, s7;
	[sflag:s4] =	ssyncset.done $0x0  }
0x41: {  	s15 =	sadd.s32 $0x0, s11;
	s14 =	simm.s32 $0x80;
	[sflag:s4] =	ssyncadd.s32 $0xFFFF8000  }
.LBB2_5:
0x42: {  	[hbm:s15] =	stream.linear.scatter [tilespmem:s12], [sflag:$0x3], $0x400, $0x38;
	[tilespmem:$0x10200] =	vst v63  }
0x43: {  	s15 =	smov.u32 s14;
	s12 =	smov.u32 s13;
	p1 =	sne.s32 s14, $0xF80  }
.Ltmp4:
0x44: {  	s14 =	sadd.s32 $0x80, s14;
	(pc) =	sbr.rel @p1 .LBB2_5-.Ltmp4, $2  }
0x45: {  	_ =	sdelay $0x2  }
0x46: {  	s13 =	sadd.s32 $0x400, s13;
	s15 =	sadd.s32 s15, s11  }
.Ltmp5:
0x47: {  	(pc) =	sbr.rel .LBB2_7-.Ltmp5, $2  }
0x48: {  	_ =	sdelay $0x2  }
0x49: {  	[hbm:s15] =	stream.linear.scatter [tilespmem:s12], [sflag:$0x3], $0x400, $0x38;
	[tilespmem:$0x10200] =	vst v63  }
.LBB2_8:
0x4a: {  	_ =	sfence.sel $0x180000  }
0x4b: {  	s2 =	simm.s32 $0x2;
	[bflag:$0x0] =	sbarrier.arrive $0xFFFF  }
0x4c: {  	s30 =	simm.s32 $0x3;
	[sflag:s2] =	ssyncpa.u1 $0x1  }
0x4d: {  	s31 =	simm.s32 $0x1;
	[sflag:s30] =	ssyncpa.u1 $0x1  }
0x4e: {  	[sflag:s31] =	ssyncpa.u1 $0x1  }
0x4f: {  	p0 =	sne.s32 s1, $0x0;
	_ =	strace $0x9000004A  }
0x50: {  	s0 =	sadd.s32 @!p0 $0x100000, s0;
	[bflag:$0x2] =	sbarrier.arrive $0xFFFF  }
0x51: {  	[sflag:s0] =	ssyncadd.tile.s32 @!p0 $0x1;
	_ =	shalt  }
.Lfunc_end2:
_tile_overlayer_lowered:
.L_overlay_start_2:
0x52: {  	(tag) =	ssettag $0x2  }
0x53: {  	s0 =	rddreg [dreg:$0x0];
	s2 =	stileid.u32  }
0x54: {  	s1 =	rddreg [dreg:$0x1];
	p0 =	sne.s32 s2, $0x0  }
0x55: {  	s3 =	rddreg [dreg:$0x2];
	[bflag:$0x3] =	sbarrier.arrive $0xFFFF;
	s2 =	simm.s32 @!p0 $0x1C01  }
0x56: {  	[timem:s3], [sflag:s2] =	dma.local @!p0 [hbm:s0], s1  }
0x57: {  	s0 =	simm.s32 @!p0 $0x1  }
0x58: {  	_ =	swait.ge @!p0 [sflag:s0], s1  }
0x59: {  	s1 =	ssub.s32 @!p0 $0x0, s1;
	[sflag:s0] =	ssyncset.done @!p0 $0x0  }
0x5a: {  	[sflag:s0] =	ssyncadd.s32 @!p0 s1  }
0x5b: {  	[bflag:$0x3] =	sbarrier.arrive $0xFFFF  }
0x5c: {  	_ =	shalt  }

// kernel: scatter_offload_async_start
scs
__scs_entry_jumppad:
0x0: {  	(pc) =	sbr.rel $0x88, $3  }
0x1: {  	(tag) =	ssettag $0x0;
	lr =	simm.s32 $0x1  }
0x2: {  	[smem:$0x3F99] =	sst lr;
	_ =	strace $0xD0000000  }
0x3: {  	_ = 	snop  }
0x4: {  	_ = 	snop  }
0x5: {  	_ = 	snop  }
0x6: {  	_ = 	snop  }
0x7: {  	_ = 	snop  }
__scs_overlays_trampoline_lowered:
0x8: {  	[smem:$0x3FA8] =	sst s0  }
0x9: {  	[smem:$0x3FA9] =	sst s1  }
0xa: {  	[smem:$0x3FAA] =	sst s2  }
0xb: {  	[smem:$0x3FAB] =	sst s3  }
0xc: {  	[smem:$0x3FAC] =	sst s4  }
0xd: {  	[smem:$0x3FAD] =	sst s5  }
0xe: {  	[smem:$0x3FAE] =	sst s6  }
0xf: {  	[smem:$0x3FAF] =	sst s7  }
0x10: {  	[smem:$0x3FB0] =	sst s8  }
0x11: {  	[smem:$0x3FB1] =	sst s9;
	s0 =	simm.s32 @!p0 $0x0  }
0x12: {  	s1 =	sld [smem:$0x3F97];
	s0 =	simm.s32 @p0 $0x1  }
0x13: {  	[smem:$0x3FB2] =	sst s0;
	s0 =	simm.s32 @!p1 $0x0  }
0x14: {  	s2 =	sld [smem:$0x3F96];
	s0 =	simm.s32 @p1 $0x1  }
0x15: {  	[smem:$0x3FB3] =	sst s0;
	s0 =	simm.s32 @!p2 $0x0  }
0x16: {  	s3 =	sld [smem:$0x3FDB];
	s0 =	simm.s32 @p2 $0x1  }
0x17: {  	s4 =	simm.s32 $0x1BF5;
	[smem:$0x3FB5] =	sst s0  }
0x18: {  	s0 =	sld [smem:$0x3F98];
	_ =	swait.ge [sflag:s4], $0x0  }
0x19: {  	s7 =	sld [smem:$0x3F99]  }
0x1a: {  	s8 =	sadd.s32 $0xFFFFE003, lr  }
0x1b: {  	s9 =	sadd.s32 $0xFFFFFEF7, lr;
	s5 =	simm.s32 $0xFFFFFFFF;
	p2 =	slt.u32 s8, $0xFFFFF086  }
0x1c: {  	p1 =	slt.u32 s9, $0xF7A;
	s5 =	simm.s32 @!p2 $0x0  }
0x1d: {  	s5 =	simm.s32 @p1 $0x1;
	p0 =	seq.s32 s7, s2  }
0x1e: {  	s7 =	smul.u32 @!p0 $0xF7A, s2;
	p2 =	seq.s32 @!p0 s5, $0x0  }
0x1f: {  	s9 =	smul.u32 $0xF7A, s1;
	s8 =	simm.s32 @!p0 $0x1BF5;
	p2 =	por !p2, p0  }
0x20: {  	[sflag:s8] =	ssyncset.s32 @!p0 $0xFFFFF086;
	s6 =	sadd.s32 @!p0 s3, s7;
	s7 =	simm.s32 @!p0 $0x108  }
0x21: {  	s3 =	sadd.s32 s3, s9;
	s6 =	sadd.s32 @!p0 $0x88, s6;
	s7 =	simm.s32 @p2 $0x1082  }
0x22: {  	[simem:s7], [sflag:s8] =	dma.local @!p0 [hbm:s6], $0xF7A  }
0x23: {  	s9 =	sor.u32 $0xD0000000, s2;
	s6 =	simm.s32 $0x108;
	_ =	swait.ge @!p0 [sflag:s8], $0x0  }
0x24: {  	s3 =	sadd.s32 $0x88, s3;
	s6 =	simm.s32 @!p1 $0x1082;
	[sflag:s4] =	ssyncset.s32 $0xFFFFF086  }
0x25: {  	[simem:s6], [sflag:s4] =	dma.local [hbm:s3], $0xF7A  }
0x26: {  	[smem:$0x3F99] =	sst s1;
	(tag) =	ssettag s2;
	_ =	strace s9  }
0x27: {  	s1 =	sld [smem:$0x3FA9]  }
0x28: {  	s2 =	sld [smem:$0x3FAA]  }
0x29: {  	s4 =	sld [smem:$0x3FAC]  }
0x2a: {  	p0 =	seq.s32 s5, $0x0;
	s5 =	sld [smem:$0x3FAD]  }
0x2b: {  	s6 =	sld [smem:$0x3FAE]  }
0x2c: {  	s7 =	sld [smem:$0x3FAF]  }
0x2d: {  	s3 =	simm.s32 $0x108;
	s8 =	sld [smem:$0x3FB0]  }
0x2e: {  	s3 =	simm.s32 @!p0 $0x1082;
	s9 =	sld [smem:$0x3FB1]  }
0x2f: {  	lr =	sadd.s32 s0, s3;
	s0 =	sld [smem:$0x3FA8]  }
0x30: {  	s3 =	sld [smem:$0x3FAB]  }
0x31: {  	[smem:$0x3FB4] =	sst s10  }
0x32: {  	s10 =	sld [smem:$0x3FB2];
	_ =	sdelay $0x3  }
0x33: {  	p0 =	seq.s32 s10, $0x1;
	s10 =	sld [smem:$0x3FB4];
	_ =	sdelay $0x3  }
0x34: {  	[smem:$0x3FB4] =	sst s10  }
0x35: {  	s10 =	sld [smem:$0x3FB3];
	_ =	sdelay $0x3  }
0x36: {  	p1 =	seq.s32 s10, $0x1;
	s10 =	sld [smem:$0x3FB4];
	_ =	sdelay $0x3  }
0x37: {  	[smem:$0x3FB4] =	sst s10  }
0x38: {  	s10 =	sld [smem:$0x3FB5]  }
0x39: {  	_ = 	snop;
	(pc) =	sbr.ind lr, $3  }
0x3a: {  	_ = 	snop  }
0x3b: {  	_ = 	snop  }
0x3c: {  	p2 =	seq.s32 s10, $0x1;
	s10 =	sld [smem:$0x3FB4]  }
0x3d: {  	_ =	shalt  }
0x3e: {  	_ =	shalt  }
0x3f: {  	_ =	shalt  }
0x40: {  	_ =	shalt  }
0x41: {  	_ =	shalt  }
0x42: {  	_ =	shalt  }
0x43: {  	_ =	shalt  }
0x44: {  	_ =	shalt  }
0x45: {  	_ =	shalt  }
0x46: {  	_ =	shalt  }
0x47: {  	_ =	shalt  }
0x48: {  	_ =	shalt  }
0x49: {  	_ =	shalt  }
0x4a: {  	_ =	shalt  }
0x4b: {  	_ =	shalt  }
0x4c: {  	_ =	shalt  }
0x4d: {  	_ =	shalt  }
0x4e: {  	_ =	shalt  }
0x4f: {  	_ =	shalt  }
0x50: {  	_ =	shalt  }
0x51: {  	_ =	shalt  }
0x52: {  	_ =	shalt  }
0x53: {  	_ =	shalt  }
0x54: {  	_ =	shalt  }
0x55: {  	_ =	shalt  }
0x56: {  	_ =	shalt  }
0x57: {  	_ =	shalt  }
0x58: {  	_ =	shalt  }
0x59: {  	_ =	shalt  }
0x5a: {  	_ =	shalt  }
0x5b: {  	_ =	shalt  }
0x5c: {  	_ =	shalt  }
0x5d: {  	_ =	shalt  }
0x5e: {  	_ =	shalt  }
0x5f: {  	_ =	shalt  }
0x60: {  	_ =	shalt  }
0x61: {  	_ =	shalt  }
0x62: {  	_ =	shalt  }
0x63: {  	_ =	shalt  }
0x64: {  	_ =	shalt  }
0x65: {  	_ =	shalt  }
0x66: {  	_ =	shalt  }
0x67: {  	_ =	shalt  }
0x68: {  	_ =	shalt  }
0x69: {  	_ =	shalt  }
0x6a: {  	_ =	shalt  }
0x6b: {  	_ =	shalt  }
0x6c: {  	_ =	shalt  }
0x6d: {  	_ =	shalt  }
0x6e: {  	_ =	shalt  }
0x6f: {  	_ =	shalt  }
0x70: {  	_ =	shalt  }
0x71: {  	_ =	shalt  }
0x72: {  	_ =	shalt  }
0x73: {  	_ =	shalt  }
0x74: {  	_ =	shalt  }
0x75: {  	_ =	shalt  }
0x76: {  	_ =	shalt  }
0x77: {  	_ =	shalt  }
0x78: {  	_ =	shalt  }
0x79: {  	_ =	shalt  }
0x7a: {  	_ =	shalt  }
0x7b: {  	_ =	shalt  }
0x7c: {  	_ =	shalt  }
0x7d: {  	_ =	shalt  }
0x7e: {  	_ =	shalt  }
0x7f: {  	_ =	shalt  }
0x80: {  	_ =	shalt  }
0x81: {  	_ =	shalt  }
0x82: {  	_ =	shalt  }
0x83: {  	_ =	shalt  }
0x84: {  	_ =	shalt  }
0x85: {  	_ =	shalt  }
0x86: {  	_ =	shalt  }
0x87: {  	_ =	shalt  }
.Lfunc_end0:
.L_simem_size_0:
called_computation_lowered:
.L_overlay_start_0:
0x88: {  	s0 =	sld [smem:$0x3FD9]  }
0x89: {  	s1 =	sld [smem:$0x3FFE];
	_ =	sdelay $0x3  }
0x8a: {  	s0 =	sadd.s32 s1, s0  }
0x8b: {  	[smem:$0x3FC0] =	sst s0  }
0x8c: {  	_ = 	snop  }
0x8d: {  	s0 =	sld [smem:$0x3FD0];
	_ =	sdelay $0x2  }
0x8e: {  	s13 =	simm.s32 $0xB;
	s2 =	simm.s32 $0x10  }
0x8f: {  	[smem:s2], [sflag:s13] =	dma.local [hbm:s0], $0x1  }
0x90: {  	_ =	swait.eq [sflag:s13], $0x1  }
0x91: {  	[sflag:s13] =	ssyncset.done $0x0  }
0x92: {  	[sflag:s13] =	ssyncadd.s32 $0xFFFFFFFF  }
0x93: {  	s14 =	sld [smem:$0x12];
	(tm) =	ssettm $0x1  }
0x94: {  	s15 =	sld [smem:$0x3FFB];
	_ =	sdelay $0x3  }
0x95: {  	_ =	strace s15  }
0x96: {  	s1 =	sld [smem:$0x3FFC];
	_ =	sdelay $0x3  }
0x97: {  	_ =	strace s1  }
0x98: {  	s1 =	sld [smem:$0x3FFD];
	_ =	sdelay $0x3  }
0x99: {  	_ =	strace s1  }
0x9a: {  	_ =	strace $0x8FFFFFFF  }
0x9b: {  	s16 =	sld [smem:$0x3FDB];
	_ =	sdelay $0x1  }
0x9c: {  	s17 =	simm.s32 $_scs_section_size  }
0x9d: {  	s3 =	simm.s32 $_size__tile_overlayer_lowered;
	s4 =	simm.s32 $_tile_overlayer_lowered  }
0x9e: {  	s20 =	simm.s32 $0x1BFF;
	s19 =	sshll.u32 s4, $0x1;
	s1 =	sadd.s32 s17, s16  }
0x9f: {  	s5 =	simm.s32 $0x0;
	s18 =	sshll.u32 s3, $0x1;
	s3 =	sadd.s32 s19, s1  }
0xa0: {  	[timem:s5], [sflag:s20] =	dma.local [hbm:s3], s18  }
0xa1: {  	_ =	swait.ge [sflag:s20], s18  }
0xa2: {  	s2 =	ssub.s32 $0x0, s18;
	[sflag:s20] =	ssyncset.done $0x0  }
0xa3: {  	[sflag:s20] =	ssyncadd.s32 s2;
	_ =	sdelay $0x1  }
0xa4: {  	s21 =	simm.s32 $0x1B8B  }
0xa5: {  	_ =	swait.ge [sflag:s21], $0x1  }
0xa6: {  	[sflag:s21] =	ssyncset.done $0x0  }
0xa7: {  	s23 =	simm.s32 $0x1B8E;
	s22 =	sld [smem:$0x3FFE];
	[sflag:s21] =	ssyncadd.s32 $0xFFFFFFFF  }
0xa8: {  	s24 =	simm.s32 $execute0_lowered;
	[smem:$0x3FD2] =	sst s23  }
0xa9: {  	s3 =	sshll.u32 s24, $0x1;
	_ =	strace $0x8000004C;
	[dreg:$0x1] =	wrdreg $0xFFFFFFFF  }
0xaa: {  	s25 =	simm.s32 $_size_execute0_lowered;
	s1 =	sadd.s32 s1, s3;
	[dreg:$0x0] =	wrdreg $0x0  }
0xab: {  	s3 =	sshll.u32 s25, $0x1;
	[dreg:$0x2] =	wrdreg s1  }
0xac: {  	[dreg:$0x3] =	wrdreg s3  }
0xad: {  	[dreg:$0x4] =	wrdreg $0xC0  }
0xae: {  	_ =	task [dreg:s5], $0x5FFFF  }
0xaf: {  	[dreg:$0x1] =	wrdreg $0xFFFFFFFF  }
0xb0: {  	[dreg:$0x0] =	wrdreg $0x60  }
0xb1: {  	[dreg:$0x2] =	wrdreg s14  }
0xb2: {  	[dreg:$0x3] =	wrdreg s22  }
0xb3: {  	[dreg:$0x4] =	wrdreg $0x9  }
0xb4: {  	_ =	task.clear_ibuf [dreg:s5], $0x5FFFF;
	_ =	strace $0x9000004C  }
0xb5: {  	s26 =	simm.s32 $0x9;
	_ =	strace $0x8000004E  }
0xb6: {  	_ =	swait.ge [sflag:s26], $0x1  }
0xb7: {  	[sflag:s26] =	ssyncadd.s32 $0xFFFFFFFF  }
0xb8: {  	_ =	strace $0x9000004E  }
0xb9: {  	_ =	sfence  }
0xba: {  	s28 =	sld [smem:$0x0];
	_ =	sdelay $0x1  }
0xbb: {  	s29 =	srdreg.scid  }
0xbc: {  	s30 =	sshll.u32 s29, $0xD;
	s31 =	sshrl.u32 s29, $0x2  }
0xbd: {  	s2 =	sand.u32 $0x4000, s30;
	s1 =	sand.u32 $0x1, s29;
	s0 =	sadd.s32 s31, s28  }
0xbe: {  	s1 =	sor.u32 s2, s1;
	s0 =	sshll.u32 s0, $0x11  }
0xbf: {  	s0 =	sor.u32 s0, s1  }
0xc0: {  	s0 =	sadd.s32 $0x8F2B, s0  }
0xc1: {  	[sflag:s0] =	ssyncadd.remote.s32 $0x1  }
0xc2: {  	_ =	sfence.sel $0xFFFF  }
0xc3: {  	[dreg:$0x0] =	wrdreg $0xFFFFFFFF;
	(pc) =	sbr.abs _section_cstart, $3  }
0xc4: {  	[dreg:$0x1] =	wrdreg $0xFFFFFFFF  }
0xc5: {  	_ =	task.clear_ibuf [dreg:s5], $0x2FFFF;
	_ =	strace $0x9FFFFFFF  }
0xc6: {  	(tm) =	ssettm $0x7FFFFFFF  }
0xc7: {  	_ =	shalt  }
tec
execute0_lowered:
.L_overlay_start_1:
0x0: {  	(tag) =	ssettag $0x1  }
0x1: {  	s1 =	rddreg [dreg:$0x0]  }
0x2: {  	s0 =	rddreg [dreg:$0x1];
	_ =	strace $0x8000004D;
	s3 =	simm.s32 $0x1  }
0x3: {  	v1 =	vimm.s32 $0xFFFFFFFF;
	[sflag:s3] =	ssyncpa.u1 $0x0  }
0x4: {  	[tilespmem:$0x10] =	vst v1  }
0x5: {  	v0 =	vimm.f32 $0.0e+00;
	[tilespmem:$0x20] =	vst v1  }
0x6: {  	[tilespmem:$0x30] =	vst v0  }
0x7: {  	s2 =	simm.s32 $0x2;
	s6 =	simm.s32 $0x7;
	[tilespmem:$0x40] =	vst v0  }
0x8: {  	s26 =	stileid.u32;
	s7 =	simm.s32 $0x8;
	s31 =	simm.s32 $0x9;
	[tilespmem:$0x50] =	vst v0  }
0x9: {  	s14 =	simm.s32 $0x0;
	s15 =	simm.s32 $0x100;
	s18 =	simm.s32 $0x10;
	[tilespmem:$0x60] =	vst v1  }
0xa: {  	s19 =	simm.s32 $0x2500;
	s20 =	simm.s32 $0xF;
	s21 =	simm.s32 $0x50;
	[tilespmem:$0x70] =	vst v1  }
0xb: {  	s22 =	simm.s32 $0x10FF;
	s23 =	simm.s32 $0x20;
	s24 =	simm.s32 $0x30;
	[tilespmem:$0x80] =	vst v1  }
0xc: {  	s25 =	simm.s32 $0x20FF;
	s30 =	simm.s32 $0x0;
	s29 =	simm.s32 $0x0;
	v1 =	vimm.s32 $0x0;
	[tilespmem:$0xB0] =	vst v0  }
.Ltmp0:
0xd: {  	s4 =	sadd.s32 $0xC00, s0;
	s5 =	sadd.s32 $0x1400, s0;
	[tilespmem:$0x90] =	vst v1;
	(pc) =	sbr.rel .LBB2_1-.Ltmp0, $4  }
0xe: {  	s8 =	sshll.u32 s26, $0xA;
	s10 =	sshll.u32 s26, $0x1;
	[tilespmem:$0xA0] =	vst v1;
	[sflag:s2] =	ssyncpa.u1 $0x0  }
0xf: {  	s12 =	sshllo.u32 s26, $0x1;
	s26 =	simm.s32 $0x80;
	[sflag:s6] =	ssyncpa.u1 $0x0  }
0x10: {  	vm0 =	vmmov $0xffff;
	v2 =	vlaneseq.u32;
	s9 =	sadd.s32 $0x400, s8;
	s11 =	sor.u32 $0x81, s10;
	[sflag:s7] =	ssyncpa.u1 $0x0  }
0x11: {  	vm1 =	vmxor vm1, vm1;
	vm2 =	vmmov $0x1;
	vm3 =	vcmask $0x3F3C;
	s13 =	sor.u32 $0x80, s10;
	s28 =	smov.u32 s8;
	[sflag:s31] =	ssyncpa.u1 $0x0  }
.LBB2_3:
0x12: {  	s0 =	sshrl.u32 s28, $0x3  }
0x13: {  	s2 =	sand.u32 $0x7, s28;
	s0 =	sadd.s32 s4, s0  }
0x14: {  	[tilespmem:s15], [sflag:$0x7] =	stream.linear.gather [hbm4b:s0+s2], $0x400, $0x38;
	[tilespmem:$0x2520] =	vst v63  }
.LBB2_4:
0x15: {  	s0 =	sadd.s32 $0x400, s28  }
0x16: {  	s2 =	smov.u32 s8;
	s29 =	sadd.s32 $0x1, s29;
	p0 =	slt.s32 s0, s9  }
0x17: {  	s2 =	smov.u32 @p0 s0;
	p0 =	sne.s32 s29, $0x4  }
.Ltmp1:
0x18: {  	_ = 	snop;
	(pc) =	sbr.rel @!p0 .LBB2_13-.Ltmp1, $2  }
0x19: {  	_ =	sdelay $0x2  }
0x1a: {  	s30 =	smov.u32 s28;
	s28 =	smov.u32 s2  }
.LBB2_1:
0x1b: {  	p0 =	sgt.s32 s29, $0x1  }
.Ltmp2:
0x1c: {  	_ = 	snop;
	(pc) =	sbr.rel @p0 .LBB2_11-.Ltmp2, $1  }
0x1d: {  	_ =	sdelay $0x3  }
0x1e: {  	p0 =	seq.s32 s29, $0x0  }
.Ltmp3:
0x1f: {  	_ = 	snop;
	(pc) =	sbr.rel @p0 .LBB2_3-.Ltmp3, $1  }
0x20: {  	_ =	sdelay $0x3  }
0x21: {  	_ =	swait.ge [sflag:s6], $0x400  }
0x22: {  	[sflag:s6] =	ssyncset.done $0x0  }
0x23: {  	[sflag:s6] =	ssyncadd.s32 $0xFFFFFC00;
	(ifvalue) =	ssetifvalue $0xFFFFFFFF;
	v3 =	vld.msk [tilespmem:s15+$0x0 ss:$0x1], $0xffff;
	_ =	sdelay $0x4  }
0x24: {  	v4 =	vperm.xlane v3, v1  }
0x25: {  	vm4 =	vlt.u32 v3, $0x18800  }
0x26: {  	v3 =	vnsel vm4, $0xFFFFFFFE, v3;
	vm4 =	vlt.u32 v4, $0x18800  }
0x27: {  	[tilespmem:$0x70] =	vst v3;
	v3 =	vnsel vm4, $0xFFFFFFFE, v4  }
0x28: {  	s17 =	simm.s32 $0x4F0;
	[tilespmem:$0x80] =	vst v3  }
0x29: {  	v3 =	vld.msk [tilespmem:s17+$0x0 ss:$0x1], $0xffff;
	_ =	sdelay $0x4  }
0x2a: {  	(xrf1) =	vunique.msk.u32 $0xffff, v3;
	_ =	sdelay $0xd  }
0x2b: {  	v4 =	vimm.s32 $0xFFFFFFFF;
	v5, _, _ =	vpop (xrf1)  }
0x2c: {  	vm5 =	vne.s32 v3, v4;
	vm4 =	veq.s32 v5, v2  }
0x2d: {  	vm6 =	vlt.u32 v3, $0x18800;
	vm4 =	vmand vm5, vm4  }
0x2e: {  	vm4 =	vmand vm6, vm4  }
0x2f: {  	v4 =	vnsel vm4, $0xFFFFFFFF, v3;
	_ =	sdelay $0x3  }
0x30: {  	s0 =	simm.s32 $0x10F0;
	(ifvalue) =	ssetifvalue $0xFFFFFFFF  }
0x31: {  	v3 =	vperm.xlane v3, v1;
	[tilespmem:s0], [sflag:$0x8] =	stream.indirect_vreg.gather [hbm4b:s1+s14], $0x1, v4, vm0, $0x4038;
	v4 =	vnsel vm6, $0xFFFFFFFE, v4;
	[tilespmem:$0x2520] =	vst v63  }
0x32: {  	s2 =	simm.s32 $0x0;
	s16 =	simm.s32 $0x4E0;
	[tilespmem:s17+$0x0] =	vst v4  }
.LBB2_6:
0x33: {  	v4 =	vld.msk [tilespmem:s16+$0x0 ss:$0x1], $0xffff;
	s2 =	sadd.s32 $0x10, s2;
	v5 =	vmov v3;
	s17 =	smov.u32 s16  }
0x34: {  	p0 =	slt.u32 s2, $0x3F0;
	_ =	sdelay $0x4  }
0x35: {  	v3 =	vperm.xlane v4, v1;
	(xrf1) =	vunique.msk.u32 $0xffff, v4;
	_ =	sdelay $0xd  }
0x36: {  	v6, _, _ =	vpop (xrf1)  }
0x37: {  	vm5 =	vne.s32 v4, v5;
	vm4 =	veq.s32 v6, v2  }
0x38: {  	vm6 =	vlt.u32 v4, $0x18800;
	vm4 =	vmand vm5, vm4  }
0x39: {  	vm4 =	vmand vm6, vm4  }
0x3a: {  	v4 =	vnsel vm4, $0xFFFFFFFF, v4  }
.Ltmp4:
0x3b: {  	v5 =	vnsel vm6, $0xFFFFFFFE, v4;
	(pc) =	sbr.rel @p0 .LBB2_6-.Ltmp4, $3  }
0x3c: {  	_ =	sdelay $0x1  }
0x3d: {  	s16 =	sadd.s32 $0xFFFFFFF0, s16;
	s0 =	sadd.s32 $0xFFFFFFF0, s0;
	(ifvalue) =	ssetifvalue $0xFFFFFFFF  }
0x3e: {  	[tilespmem:s0], [sflag:$0x8] =	stream.indirect_vreg.gather [hbm4b:s1+s14], $0x1, v4, vm0, $0x4038;
	[tilespmem:s17+$0x0] =	vst v5  }
.Ltmp5:
0x3f: {  	(pc) =	sbr.rel .LBB2_4-.Ltmp5, $4  }
0x40: {  	_ = 	snop  }
0x41: {  	s0 =	sshrl.u32 s30, $0x3  }
0x42: {  	s2 =	simm.s32 $0x1500;
	s0 =	sadd.s32 s5, s0  }
0x43: {  	[tilespmem:s2], [sflag:$0x8] =	stream.linear.gather [hbm:s0], $0x400, $0x38;
	[tilespmem:$0x2520] =	vst v63  }
.LBB2_11:
0x44: {  	p0 =	seq.s32 s29, $0x2  }
.Ltmp6:
0x45: {  	_ = 	snop;
	(pc) =	sbr.rel @!p0 .LBB2_12-.Ltmp6, $1  }
0x46: {  	_ =	sdelay $0x3  }
0x47: {  	_ =	swait.ge [sflag:s7], $0x800  }
0x48: {  	[sflag:s7] =	ssyncset.done $0x0  }
0x49: {  	s0 =	simm.s32 $0x4FF;
	[sflag:s7] =	ssyncadd.s32 $0xFFFFF800  }
0x4a: {  	[spmem:s11] =	stream.linear.scatter [tilespmem:s0], [sflag:$0x1], $0x1, $0x38;
	[tilespmem:$0x2520] =	vst v63  }
0x4b: {  	_ =	swait.ge [sflag:s3], $0x1  }
0x4c: {  	[sflag:s3] =	ssyncset.done $0x0  }
0x4d: {  	[sflag:s3] =	ssyncadd.s32 $0xFFFFFFFF  }
0x4e: {  	v4 =	vld [tilespmem:$0x10]  }
0x4f: {  	v5 =	vld [tilespmem:$0x70]  }
0x50: {  	v3 =	vld [tilespmem:$0x80];
	_ =	sdelay $0x2  }
0x51: {  	(v2sf) =	vpush v4, $0x0  }
0x52: {  	(v2sf) =	vpush v5, $0x0  }
0x53: {  	(v2sf) =	vpush v3, $0x0;
	_ =	sdelay $0xc  }
0x54: {  	s16 =	spop (v2sf)  }
0x55: {  	s2 =	spop (v2sf)  }
0x56: {  	s30 =	spop (v2sf)  }
0x57: {  	p0 =	seq.s32 s16, s2;
	p1 =	seq.s32 s30, s16  }
0x58: {  	p1 =	por p0, p1  }
0x59: {  	v4 =	vpsel p1, $0xFFFFFFFF, v4  }
0x5a: {  	[tilespmem:s18+$0x0] =	vst.msk $0x1, v4  }
0x5b: {  	v4 =	vld [tilespmem:$0x30]  }
0x5c: {  	v5 =	vld [tilespmem:$0x1500]  }
0x5d: {  	v6 =	vld [tilespmem:$0x40];
	_ =	sdelay $0x3  }
0x5e: {  	vm4 =	vmmov vm1;
	v5 =	vadd.f32 v5, v4  }
0x5f: {  	vm5 =	vmmov vm2;
	s31 =	simm.s32 $0x1500;
	vm4 =	vmmov @p0 vm2;
	v4 =	vadd.f32 v6, v4  }
0x60: {  	vm5 =	vmmov @p1 vm1;
	[tilespmem:s31+$0x0] =	vst.msk vm4, v5  }
0x61: {  	[tilespmem:s19+$0x0] =	vst.msk vm5, v4  }
0x62: {  	v4 =	vld [tilespmem:$0x10F0];
	_ =	sdelay $0x3  }
0x63: {  	v5 =	vimm.f32 $0.0e+00  }
0x64: {  	v4 =	vshift.insert v4, v5, s20;
	_ =	sdelay $0x1  }
0x65: {  	[tilespmem:s21+$0x0] =	vst.msk $0x1, v4  }
0x66: {  	[tilespmem:s22+$0x0] =	vst.msk $0x1, v5  }
0x67: {  	v4 =	vld [tilespmem:$0x4F0];
	_ =	sdelay $0x4  }
0x68: {  	v4 =	vshift.insert v4, v1, s20;
	_ =	sdelay $0x1  }
0x69: {  	[tilespmem:s23+$0x0] =	vst.msk $0x1, v4  }
0x6a: {  	s17 =	simm.s32 $0x100;
	v6 =	vld [tilespmem:s31+$0x0]  }
0x6b: {  	v7 =	vld [tilespmem:s17+$0x0];
	_ =	sdelay $0x3  }
0x6c: {  	v5 =	vadd.f32 v6, v5  }
0x6d: {  	vm4 =	vne.s32 v7, $0xFFFFFFFF  }
0x6e: {  	(xrf2) =	vadd.seg.scan.f32 vm4, v5;
	_ =	sdelay $0x3  }
0x6f: {  	s0 =	simm.s32 $0xD00;
	v5 =	vperm.xlane v4, v1  }
0x70: {  	v6 =	vld [tilespmem:s0+$0x0]  }
0x71: {  	vm5 =	veq.s32 v7, v3;
	vm6 =	veq.s32 v7, v5  }
0x72: {  	vm7 =	vgt.u32 v7, $0xFFFFFFFD;
	vm6 =	vmor vm6, vm5  }
0x73: {  	vm6 =	vmor vm6, vm7  }
0x74: {  	v9 =	vld [tilespmem:$0xA0];
	v7 =	vsel vm6, $0xFFFFFFFF, v7  }
0x75: {  	v10 =	vld [tilespmem:$0x90];
	v6 =	vsel vm5, $0x0, v6;
	v8, _, _ =	vpop (xrf2)  }
0x76: {  	v6 =	vadd.f32 v8, v6  }
0x77: {  	s2 =	simm.s32 $0x1D00  }
0x78: {  	vm4 =	vmand vm4, vm3;
	[tilespmem:s2+$0x0] =	vst v6;
	(ifvalue) =	ssetifvalue $0xFFFFFFFF  }
0x79: {  	vm6 =	veq.s32 v9, $0x1;
	[hbm4b:s1+s14] =	stream.indirect_vreg.scatter [tilespmem:s2], [sflag:$0x2], $0x1, v7, vm0, $0x4038;
	v7 =	vsel vm4, $0x0, v8;
	[tilespmem:$0x2520] =	vst v63  }
0x7a: {  	s16 =	simm.s32 $0x0;
	s17 =	simm.s32 $0x110;
	vm4 =	vmor vm6, vm5;
	v6 =	vsel vm5, v8, v10;
	v7 =	vshift.insert v7, v0, s20  }
.LBB2_9:
0x7b: {  	v8 =	vld [tilespmem:s17+$0x0];
	s31 =	sadd.s32 $0x10, s31  }
0x7c: {  	s0 =	sadd.s32 $0x10, s0;
	v9 =	vld [tilespmem:s31+$0x0]  }
0x7d: {  	s16 =	sadd.s32 $0x10, s16;
	v10 =	vld [tilespmem:s0+$0x0]  }
0x7e: {  	p0 =	slt.u32 s16, $0x3F0;
	_ =	sdelay $0x2  }
0x7f: {  	v7 =	vadd.f32 v9, v7  }
0x80: {  	vm5 =	vne.s32 v8, $0xFFFFFFFF  }
0x81: {  	vm6 =	vmand vm5, vm3;
	(xrf2) =	vadd.seg.scan.f32 vm5, v7;
	_ =	sdelay $0x5  }
0x82: {  	vm7 =	veq.s32 v8, v5;
	vm5 =	veq.s32 v8, v3  }
0x83: {  	vm8 =	vgt.u32 v8, $0xFFFFFFFD;
	vm4 =	vmor vm4, vm5;
	vm7 =	vmor vm7, vm5  }
0x84: {  	vm7 =	vmor vm7, vm8  }
0x85: {  	v8 =	vsel vm7, $0xFFFFFFFF, v8  }
.Ltmp7:
0x86: {  	v7 =	vsel vm5, $0x0, v10;
	v9, _, _ =	vpop (xrf2);
	(pc) =	sbr.rel @p0 .LBB2_9-.Ltmp7, $4  }
0x87: {  	v6 =	vsel vm5, v9, v6;
	v10 =	vadd.f32 v9, v7;
	v7 =	vsel vm6, $0x0, v9  }
0x88: {  	s2 =	sadd.s32 $0x10, s2;
	v7 =	vshift.insert v7, v0, s20  }
0x89: {  	s17 =	sadd.s32 $0x10, s17;
	[tilespmem:s2+$0x0] =	vst v10;
	(ifvalue) =	ssetifvalue $0xFFFFFFFF  }
0x8a: {  	[hbm4b:s1+s14] =	stream.indirect_vreg.scatter [tilespmem:s2], [sflag:$0x2], $0x1, v8, vm0, $0x4038;
	[tilespmem:$0x2520] =	vst v63  }
0x8b: {  	v3 =	vld [tilespmem:$0x20F0];
	_ =	sdelay $0x4  }
0x8c: {  	v3 =	vshift.insert v3, v0, s20;
	_ =	sdelay $0x1  }
0x8d: {  	[tilespmem:s24+$0x0] =	vst.msk $0x1, v3  }
0x8e: {  	v3 =	vsel vm4, $0x1, v1;
	[tilespmem:$0x90] =	vst v6  }
0x8f: {  	[tilespmem:$0xA0] =	vst v3  }
0x90: {  	[spmem:s12] =	stream.linear.scatter [tilespmem:s25], [sflag:$0x1], $0x1, $0x38;
	[tilespmem:$0x2520] =	vst v63  }
0x91: {  	v3 =	vmctz.xlane vm4;
	_ =	swait.ge [sflag:s3], $0x1  }
0x92: {  	(v2sf) =	vpush v4, $0x0  }
0x93: {  	(v2sf) =	vpush v3, $0x0;
	_ =	sdelay $0xd  }
0x94: {  	s0 =	spop (v2sf)  }
0x95: {  	s2 =	spop (v2sf)  }
0x96: {  	[sflag:s3] =	ssyncset.done $0x0;
	p0 =	sne.s32 s30, s0;
	p1 =	slt.s32 s2, $0xF  }
0x97: {  	[sflag:s3] =	ssyncadd.s32 $0xFFFFFFFF;
	v3 =	vimm.s32 @!p0 $0xFFFFFFFF;
	s2 =	simm.s32 @!p1 $0xF  }
0x98: {  	[tilespmem:$0x80] =	vst @!p0 v3;
	s31 =	sadd.s32 $0x90, s2  }
0x99: {  	[spmem:s10] =	stream.linear.scatter [tilespmem:s31], [sflag:$0x1], $0x1, $0x38;
	[tilespmem:$0x2520] =	vst v63  }
0x9a: {  	_ =	swait.ge [sflag:s3], $0x1  }
0x9b: {  	[sflag:s3] =	ssyncset.done $0x0  }
0x9c: {  	[sflag:s3] =	ssyncadd.s32 $0xFFFFFFFF  }
0x9d: {  	[spmem:s13] =	stream.linear.scatter [tilespmem:s26], [sflag:$0x1], $0x1, $0x38;
	[tilespmem:$0x2520] =	vst v63  }
0x9e: {  	_ =	swait.ge [sflag:s3], $0x1  }
0x9f: {  	[sflag:s3] =	ssyncset.done $0x0  }
0xa0: {  	[sflag:s3] =	ssyncadd.s32 $0xFFFFFFFF;
	(ifvalue) =	ssetifvalue $0xFFFFFFFF;
	v3 =	vld [tilespmem:$0x10];
	_ =	sdelay $0x3  }
.Ltmp8:
0xa1: {  	_ = 	snop;
	(pc) =	sbr.rel .LBB2_4-.Ltmp8, $3  }
0xa2: {  	_ =	sdelay $0x1  }
0xa3: {  	(ifvalue) =	ssetifvalue $0xFFFFFFFF  }
0xa4: {  	[hbm4b:s1+s14] =	stream.indirect_vreg.scatter [tilespmem:s19], [sflag:$0x9], $0x1, v3, vm0, $0x4038;
	[tilespmem:$0x2520] =	vst v63  }
.LBB2_12:
0xa5: {  	s0 =	simm.s32 $0x2  }
0xa6: {  	_ =	swait.ge [sflag:s0], $0x400  }
0xa7: {  	[sflag:s0] =	ssyncset.done $0x0  }
0xa8: {  	s31 =	simm.s32 $0x9;
	[sflag:s0] =	ssyncadd.s32 $0xFFFFFC00  }
0xa9: {  	_ =	swait.ge [sflag:s31], $0x10  }
0xaa: {  	[sflag:s31] =	ssyncset.done $0x0  }
0xab: {  	[sflag:s31] =	ssyncadd.s32 $0xFFFFFFF0  }
.LBB2_13:
0xac: {  	_ =	sfence.sel $0x180000  }
0xad: {  	s0 =	simm.s32 $0x7;
	[bflag:$0x0] =	sbarrier.arrive $0xFFFF  }
0xae: {  	s26 =	simm.s32 $0x8;
	[sflag:s0] =	ssyncpa.u1 $0x1  }
0xaf: {  	s28 =	simm.s32 $0x9;
	[sflag:s26] =	ssyncpa.u1 $0x1  }
0xb0: {  	[sflag:s28] =	ssyncpa.u1 $0x1  }
0xb1: {  	_ =	sfence.stream.spmem  }
0xb2: {  	s29 =	simm.s32 $0x3;
	[bflag:$0x0] =	sbarrier.arrive $0xFFFF  }
0xb3: {  	s30 =	simm.s32 $0x4;
	[sflag:s29] =	ssyncpa.u1 $0x1  }
0xb4: {  	s31 =	simm.s32 $0x3C;
	s2 =	stileid.u32;
	[sflag:s30] =	ssyncpa.u1 $0x1  }
0xb5: {  	p0 =	sne.s32 s2, $0x0;
	[sflag:s31] =	ssyncpa.u1 $0x1  }
0xb6: {  	s0 =	simm.s32 @p0 $0x1;
	_ =	sfence @p0  }
0xb7: {  	[sflag:s0] =	ssyncpa.u1 @p0 $0x1;
	s0 =	simm.s32 @p0 $0x2  }
0xb8: {  	[sflag:s0] =	ssyncpa.u1 @p0 $0x1  }
0xb9: {  	_ =	strace @p0 $0x9000004D  }
0xba: {  	[bflag:$0x2] =	sbarrier.arrive @p0 $0xFFFF  }
0xbb: {  	_ =	shalt @p0  }
.LBB2_14:
0xbc: {  	_ =	sfence.stream.spmem;
	s0 =	simm.s32 $0x5  }
0xbd: {  	s2 =	simm.s32 $0x80;
	s3 =	simm.s32 $0xC0;
	[sflag:s0] =	ssyncpa.u1 $0x0  }
0xbe: {  	[tilespmem:s3], [sflag:$0x5] =	stream.linear.gather [spmem:s2], $0x20, $0x38;
	[tilespmem:$0x2520] =	vst v63  }
0xbf: {  	s2 =	simm.s32 $0x0;
	s3 =	simm.s32 $0xE0  }
0xc0: {  	[tilespmem:s3], [sflag:$0x5] =	stream.linear.gather [spmem:s2], $0x20, $0x38;
	[tilespmem:$0x2520] =	vst v63  }
.Ltmp9:
0xc1: {  	_ = 	snop;
	(pc) =	sbr.rel .LBB2_15-.Ltmp9, $4  }
0xc2: {  	_ =	swait.ge [sflag:s0], $0x40  }
0xc3: {  	[sflag:s0] =	ssyncset.done $0x0  }
0xc4: {  	s31 =	simm.s32 $0x6;
	[sflag:s0] =	ssyncadd.s32 $0xFFFFFFC0  }
0xc5: {  	s4 =	simm.s32 $0x0;
	[sflag:s31] =	ssyncpa.u1 $0x0  }
.LBB2_20:
0xc6: {  	p0 =	sgt.u32 s0, $0x187FF  }
0xc7: {  	s5 =	sshrl.u32 @!p0 s0, $0x3  }
0xc8: {  	s0 =	sand.u32 @!p0 $0x7, s0;
	s6 =	simm.s32 @!p0 $0xB0;
	s5 =	sadd.s32 @!p0 s1, s5  }
0xc9: {  	[tilespmem:s6], [sflag:$0x6] =	stream.linear.gather @!p0 [hbm4b:s5+s0], $0x1, $0x38;
	[tilespmem:$0x2520] =	vst v63  }
0xca: {  	s0 =	simm.s32 @!p0 $0x6  }
0xcb: {  	_ =	swait.ge @!p0 [sflag:s0], $0x1  }
0xcc: {  	[sflag:s0] =	ssyncset.done @!p0 $0x0  }
0xcd: {  	[sflag:s0] =	ssyncadd.s32 @!p0 $0xFFFFFFFF  }
0xce: {  	v2 =	vmov @!p0 s4;
	v1 =	vld.msk @!p0 [tilespmem:$0xB0], $0x1;
	_ =	sdelay $0x3  }
0xcf: {  	s0 =	simm.s32 @!p0 $0xE0  }
0xd0: {  	[tilespmem:v2+s0+$0x0], v1 =	vst.idx.ret.add.f32.msk @!p0 $0x1, v1  }
0xd1: {  	[tilespmem:s2+$0xC0] =	vst.msk $0x1, v0  }
0xd2: {  	v0 =	vld.msk [tilespmem:s4+$0xE0], $0x1;
	_ =	sdelay $0x4  }
0xd3: {  	[tilespmem:s2+$0xE0] =	vst.msk $0x1, v0;
	s2 =	sadd.s32 $0x1, s2  }
.LBB2_22:
0xd4: {  	s4 =	sadd.s32 $0x1, s4  }
0xd5: {  	p0 =	sne.s32 s4, $0x20  }
.Ltmp10:
0xd6: {  	_ = 	snop;
	(pc) =	sbr.rel @!p0 .LBB2_23-.Ltmp10, $1  }
0xd7: {  	_ =	sdelay $0x3  }
.LBB2_15:
0xd8: {  	v0 =	vld.msk [tilespmem:s4+$0xC0], $0x1;
	_ =	sdelay $0x4  }
0xd9: {  	(v2sf) =	vpush v0, $0x0;
	_ =	sdelay $0xe  }
0xda: {  	s0 =	spop (v2sf)  }
0xdb: {  	p0 =	seq.s32 s0, $0xFFFFFFFF  }
.Ltmp11:
0xdc: {  	_ = 	snop;
	(pc) =	sbr.rel @p0 .LBB2_22-.Ltmp11, $1  }
0xdd: {  	_ =	sdelay $0x3  }
0xde: {  	p0 =	slt.s32 s2, $0x1  }
.Ltmp12:
0xdf: {  	_ = 	snop;
	(pc) =	sbr.rel @p0 .LBB2_20-.Ltmp12, $1  }
0xe0: {  	_ =	sdelay $0x3  }
0xe1: {  	s5 =	simm.s32 $0xC0;
	p0 =	por $0x0, $0x0  }
0xe2: {  	v1 =	vld.msk @!p0 [tilespmem:s5+$0x0], $0x1;
	_ =	sdelay $0x4  }
0xe3: {  	(v2sf) =	vpush @!p0 v1, $0x0;
	_ =	sdelay $0xd  }
0xe4: {  	p2 =	sne.s32 s2, $0x1  }
.Ltmp13:
0xe5: {  	s6 =	spop @!p0 (v2sf);
	(pc) =	sbr.rel @!p2 .LBB2_19-.Ltmp13, $4  }
0xe6: {  	p1 =	seq.s32 @!p0 s0, s6  }
0xe7: {  	s6 =	simm.s32 $0x0;
	p1 =	por !p1, p0  }
0xe8: {  	s8 =	simm.s32 $0xFFFFFFFF;
	s6 =	simm.s32 @p1 $0xFFFFFFFF  }
0xe9: {  	s7 =	simm.s32 $0x1;
	s6 =	smov.u32 @p0 s8  }
.LBB2_18:
0xea: {  	s8 =	smov.u32 s6;
	p0 =	sne.s32 s6, $0xFFFFFFFF  }
0xeb: {  	s5 =	sadd.s32 $0x1, s5;
	s6 =	smov.u32 s7;
	s7 =	sadd.s32 $0x1, s7  }
0xec: {  	p1 =	sne.s32 s2, s7;
	v1 =	vld.msk @!p0 [tilespmem:s5+$0x0], $0x1;
	_ =	sdelay $0x4  }
0xed: {  	(v2sf) =	vpush @!p0 v1, $0x0;
	_ =	sdelay $0xe  }
.Ltmp14:
0xee: {  	s9 =	spop @!p0 (v2sf);
	(pc) =	sbr.rel @p1 .LBB2_18-.Ltmp14, $4  }
0xef: {  	p2 =	seq.s32 @!p0 s0, s9  }
0xf0: {  	p2 =	por !p2, p0  }
0xf1: {  	s6 =	simm.s32 @p2 $0xFFFFFFFF  }
0xf2: {  	s6 =	smov.u32 @p0 s8  }
.LBB2_19:
0xf3: {  	p0 =	sne.s32 s6, $0xFFFFFFFF  }
.Ltmp15:
0xf4: {  	_ = 	snop;
	(pc) =	sbr.rel @!p0 .LBB2_20-.Ltmp15, $1  }
0xf5: {  	_ =	sdelay $0x3  }
0xf6: {  	v0 =	vld.msk [tilespmem:s4+$0xE0], $0x1;
	v1 =	vmov s6  }
.Ltmp16:
0xf7: {  	_ = 	snop;
	(pc) =	sbr.rel .LBB2_22-.Ltmp16, $2  }
0xf8: {  	_ =	sdelay $0x2  }
0xf9: {  	[tilespmem:v1+s3+$0x0], v0 =	vst.idx.ret.add.f32.msk $0x1, v0  }
.LBB2_23:
0xfa: {  	p0 =	slt.s32 s2, $0x1  }
.Ltmp17:
0xfb: {  	_ = 	snop;
	(pc) =	sbr.rel @p0 .LBB2_27-.Ltmp17, $3  }
0xfc: {  	_ =	sdelay $0x1  }
0xfd: {  	s0 =	simm.s32 $0x6  }
0xfe: {  	[sflag:s0] =	ssyncpa.u1 $0x1;
	s0 =	simm.s32 $0x0  }
0xff: {  	s3 =	simm.s32 $0xC0  }
0x100: {  	v0 =	vld.msk [tilespmem:s3+$0x0], $0x1;
	_ =	sdelay $0x4  }
0x101: {  	(v2sf) =	vpush v0, $0x0;
	_ =	sdelay $0xe  }
0x102: {  	s2 =	sadd.s32 $0xFFFFFFFF, s2;
	s4 =	spop (v2sf)  }
0x103: {  	p1 =	sne.s32 s2, $0x0;
	p0 =	sgt.u32 s4, $0x187FF  }
.Ltmp18:
0x104: {  	s5 =	sshrl.u32 @!p0 s4, $0x3;
	(pc) =	sbr.rel @!p1 .LBB2_26-.Ltmp18, $4  }
0x105: {  	s3 =	simm.s32 $0xE0;
	s4 =	sand.u32 @!p0 $0x7, s4;
	s5 =	sadd.s32 @!p0 s1, s5  }
0x106: {  	[hbm4b:s5+s4] =	stream.linear.scatter @!p0 [tilespmem:s3], [sflag:$0x5], $0x1, $0x38;
	[tilespmem:$0x2520] =	vst v63  }
0x107: {  	s5 =	simm.s32 $0x0  }
0x108: {  	s4 =	simm.s32 $0xC1;
	s5 =	simm.s32 @!p0 $0x4  }
.LBB2_25:
0x109: {  	v0 =	vld.msk [tilespmem:s4+$0x0], $0x1;
	s2 =	sadd.s32 $0xFFFFFFFF, s2;
	s0 =	sadd.s32 s0, s5  }
0x10a: {  	p0 =	sne.s32 s2, $0x0;
	_ =	sdelay $0x3  }
0x10b: {  	(v2sf) =	vpush v0, $0x0;
	_ =	sdelay $0xe  }
.Ltmp19:
0x10c: {  	s6 =	spop (v2sf);
	(pc) =	sbr.rel @p0 .LBB2_25-.Ltmp19, $4  }
0x10d: {  	s5 =	simm.s32 $0x0;
	p1 =	sgt.u32 s6, $0x187FF  }
0x10e: {  	s3 =	sadd.s32 $0x1, s3;
	s5 =	simm.s32 @!p1 $0x4;
	s7 =	sshrl.u32 @!p1 s6, $0x3  }
0x10f: {  	s4 =	sadd.s32 $0x1, s4;
	s6 =	sand.u32 @!p1 $0x7, s6;
	s7 =	sadd.s32 @!p1 s1, s7  }
0x110: {  	[hbm4b:s7+s6] =	stream.linear.scatter @!p1 [tilespmem:s3], [sflag:$0x5], $0x1, $0x38;
	[tilespmem:$0x2520] =	vst v63  }
.LBB2_26:
0x111: {  	s0 =	sadd.s32 s0, s5  }
0x112: {  	s0 =	sshrl.u32 s0, $0x2  }
.LBB2_27:
0x113: {  	s1 =	simm.s32 $0x5  }
0x114: {  	_ =	swait.ge [sflag:s1], s0  }
0x115: {  	s28 =	ssub.s32 $0x0, s0;
	[sflag:s1] =	ssyncset.done $0x0  }
0x116: {  	[sflag:s1] =	ssyncadd.s32 s28  }
0x117: {  	[sflag:s1] =	ssyncpa.u1 $0x1  }
0x118: {  	s29 =	simm.s32 $0x1;
	_ =	sfence  }
0x119: {  	s30 =	simm.s32 $0x2;
	[sflag:s29] =	ssyncpa.u1 $0x1  }
0x11a: {  	[sflag:s30] =	ssyncpa.u1 $0x1  }
0x11b: {  	_ =	strace $0x9000004D  }
0x11c: {  	[bflag:$0x2] =	sbarrier.arrive $0xFFFF  }
0x11d: {  	s31 =	rddreg [dreg:$0x2]  }
0x11e: {  	s0 =	sadd.s32 $0x100000, s31  }
0x11f: {  	[sflag:s0] =	ssyncadd.tile.s32 $0x1;
	_ =	shalt  }
.Lfunc_end2:
_tile_overlayer_lowered:
.L_overlay_start_2:
0x120: {  	(tag) =	ssettag $0x2  }
0x121: {  	s0 =	rddreg [dreg:$0x0];
	s2 =	stileid.u32  }
0x122: {  	s1 =	rddreg [dreg:$0x1];
	p0 =	sne.s32 s2, $0x0  }
0x123: {  	s3 =	rddreg [dreg:$0x2];
	[bflag:$0x3] =	sbarrier.arrive $0xFFFF;
	s2 =	simm.s32 @!p0 $0x1C01  }
0x124: {  	[timem:s3], [sflag:s2] =	dma.local @!p0 [hbm:s0], s1  }
0x125: {  	s0 =	simm.s32 @!p0 $0x1  }
0x126: {  	_ =	swait.ge @!p0 [sflag:s0], s1  }
0x127: {  	s1 =	ssub.s32 @!p0 $0x0, s1;
	[sflag:s0] =	ssyncset.done @!p0 $0x0  }
0x128: {  	[sflag:s0] =	ssyncadd.s32 @!p0 s1  }
0x129: {  	[bflag:$0x3] =	sbarrier.arrive $0xFFFF  }
0x12a: {  	_ =	shalt  }

</sc_bundles>
